<compile_context>
chip_gen: v7x
topology: tpu7x:2x2x1
jax: 0.10.2.dev20260603
libtpu: 0.0.44.dev20260713+nightly
codegen_flags: <defaults>
</compile_context>

<pallas_src>
import functools

import jax
import jax.numpy as jnp
from jax import lax
from jax.experimental import pallas as pl
from jax.experimental.pallas import tpu as pltpu
from jax.experimental.pallas import tpu_sc as plsc

_NUM_ITEM = 100000
_B = 1024
_L = 20
_H = 64

_IST = 4
_BST = 8
_IPS = _NUM_ITEM // _IST
_SPS = 128 * _L
_NG = _SPS // 16
_T = 448
_KF = 55
_TAIL = _IPS - _KF * _T


def _tc_probs_body(am_ref, lm_ref, seq_ref, wr_ref, ur_ref, vw_ref, vb_ref,
                   vals_ref, items_ref):
    m = jnp.dot(wr_ref[...], lm_ref[...],
                preferred_element_type=jnp.float32,
                precision=lax.Precision.HIGHEST)
    vw = vw_ref[...]
    rows = []
    for l in range(_L):
        z = jnp.tanh(jnp.dot(ur_ref[...], am_ref[l],
                             preferred_element_type=jnp.float32,
                             precision=lax.Precision.HIGHEST) + m)
        rows.append(jnp.dot(vw, z, preferred_element_type=jnp.float32,
                            precision=lax.Precision.HIGHEST))
    s = jnp.concatenate(rows, axis=0) + vb_ref[...]
    smax = jnp.max(s, axis=0, keepdims=True)
    e = jnp.exp(s - smax)
    p = e / jnp.sum(e, axis=0, keepdims=True)
    seq = seq_ref[...]
    acc = jnp.zeros_like(p)
    for l in range(_L):
        acc = acc + jnp.where(seq == seq[l:l + 1, :], p[l:l + 1, :], 0.0)
    vals_ref[...] = acc
    items_ref[...] = seq


def _tc_probs(all_memory, last_memory, seq, Wr, Ur, Vr_w, Vr_b):
    return pl.pallas_call(
        _tc_probs_body,
        out_shape=[
            jax.ShapeDtypeStruct((_L, _B), jnp.float32),
            jax.ShapeDtypeStruct((_L, _B), jnp.int32),
        ],
    )(all_memory, last_memory, seq, Wr, Ur, Vr_w, Vr_b)


_NEG = -(1 << 30)


def _sc_scatter_body(items_hbm, vals_hbm, zeros_hbm, out_hbm,
                     items_v, vals_v, items_c, cols_c, vals_c,
                     buf_a, buf_b, sem_a, sem_b, stage_sem):
    wid = lax.axis_index("s") * 2 + lax.axis_index("c")
    jb = wid // _IST
    it = wid % _IST
    stage_i = pltpu.async_copy(
        items_hbm.at[:, pl.ds(jb * 128, 128)], items_v, stage_sem)
    stage_v = pltpu.async_copy(
        vals_hbm.at[:, pl.ds(jb * 128, 128)], vals_v, stage_sem)
    stage_za = pltpu.async_copy(zeros_hbm, buf_a, stage_sem)
    stage_zb = pltpu.async_copy(zeros_hbm, buf_b, stage_sem)
    stage_i.wait()
    stage_v.wait()
    stage_za.wait()
    stage_zb.wait()

    item0 = it * _IPS
    col0 = pl.multiple_of(jb * 128, 128)

    def comp_body(g, off):
        l = g // 8
        oc = (g % 8) * 16
        r16 = items_v[l, pl.ds(oc, 16)] - item0
        mask = (r16 >= 0) & (r16 < _IPS)
        c16 = lax.iota(jnp.int32, 16) + oc
        plsc.store_compressed(items_c.at[pl.ds(off, 16)], r16, mask=mask)
        plsc.store_compressed(cols_c.at[pl.ds(off, 16)], c16, mask=mask)
        plsc.store_compressed(vals_c.at[pl.ds(off, 16)],
                              vals_v[l, pl.ds(oc, 16)], mask=mask)
        return off + jnp.sum(mask.astype(jnp.int32))

    off = lax.fori_loop(0, _NG, comp_body, jnp.int32(0))
    items_c[pl.ds(off, 16)] = jnp.full((16,), -1, jnp.int32)
    ng = (off + 15) // 16

    def pass_fused(buf, prev_base, cur_base, cur_width):
        def g_body(g, _):
            o = g * 16
            r16 = items_c[pl.ds(o, 16)]
            c16 = cols_c[pl.ds(o, 16)]
            v16 = vals_c[pl.ds(o, 16)]
            rp = r16 - prev_base
            mp = (rp >= 0) & (rp < _T)
            rp = jnp.where(mp, rp, 0)
            plsc.store_scatter(buf, [rp, c16],
                               jnp.zeros((16,), jnp.float32), mask=mp)
            rc = r16 - cur_base
            mc = (rc >= 0) & (rc < cur_width)
            rc = jnp.where(mc, rc, 0)
            plsc.store_scatter(buf, [rc, c16], v16, mask=mc)
            return 0
        lax.fori_loop(0, ng, g_body, 0)

    def dst(k):
        row = pl.multiple_of(item0 + k * _T, 8)
        return out_hbm.at[pl.ds(row, _T), pl.ds(col0, 128)]

    pass_fused(buf_a, _NEG, 0 * _T, _T)
    pltpu.async_copy(buf_a, dst(0), sem_a)
    pass_fused(buf_b, _NEG, 1 * _T, _T)
    pltpu.async_copy(buf_b, dst(1), sem_b)

    def pair(m, _):
        for par, buf, sem in ((0, buf_a, sem_a), (1, buf_b, sem_b)):
            k = 2 * m + par
            pltpu.make_async_copy(buf, dst(k - 2), sem).wait()
            pass_fused(buf, (k - 2) * _T, k * _T, _T)
            pltpu.async_copy(buf, dst(k), sem)
        return 0

    lax.fori_loop(1, (_KF - 1) // 2, pair, 0)

    pltpu.make_async_copy(buf_a, dst(_KF - 3), sem_a).wait()
    pass_fused(buf_a, (_KF - 3) * _T, (_KF - 1) * _T, _T)
    pltpu.async_copy(buf_a, dst(_KF - 1), sem_a)
    pltpu.make_async_copy(buf_b, dst(_KF - 2), sem_b).wait()
    tail_base = _KF * _T
    pass_fused(buf_b, (_KF - 2) * _T, tail_base, _TAIL)
    tail_row = pl.multiple_of(item0 + tail_base, 8)
    tail_dst = out_hbm.at[pl.ds(tail_row, _TAIL), pl.ds(col0, 128)]
    pltpu.async_copy(buf_b.at[pl.ds(0, _TAIL), :], tail_dst, sem_b)
    pltpu.make_async_copy(buf_a, dst(_KF - 1), sem_a).wait()
    pltpu.make_async_copy(buf_b.at[pl.ds(0, _TAIL), :], tail_dst, sem_b).wait()


@functools.lru_cache(maxsize=1)
def _make_sc_scatter():
    return pl.kernel(
        _sc_scatter_body,
        out_type=jax.ShapeDtypeStruct((_NUM_ITEM, _B), jnp.float32),
        mesh=plsc.VectorSubcoreMesh(core_axis_name="c", subcore_axis_name="s"),
        compiler_params=pltpu.CompilerParams(needs_layout_passes=False),
        scratch_types=[
            pltpu.VMEM((_L, 128), jnp.int32),
            pltpu.VMEM((_L, 128), jnp.float32),
            pltpu.VMEM((_SPS + 16,), jnp.int32),
            pltpu.VMEM((_SPS + 16,), jnp.int32),
            pltpu.VMEM((_SPS + 16,), jnp.float32),
            pltpu.VMEM((_T, 128), jnp.float32),
            pltpu.VMEM((_T, 128), jnp.float32),
            pltpu.SemaphoreType.DMA,
            pltpu.SemaphoreType.DMA,
            pltpu.SemaphoreType.DMA,
        ],
    )


def kernel(all_memory, last_memory, seq_item, Wr, Ur, Vr_w, Vr_b):
    seq = seq_item.astype(jnp.int32)
    vals_t, items_t = _tc_probs(
        all_memory.transpose(1, 2, 0), last_memory.T, seq.T,
        Wr, Ur, Vr_w, Vr_b)
    zeros = jnp.zeros((_T, 128), jnp.float32)
    out_t = _make_sc_scatter()(items_t, vals_t, zeros)
    return out_t.T

# --- scband reference (transcript-rebuilt; emitter-appended) ---
"""Pipeline reference for scband-repeat-recommendation-decoder-23132693856435 (READ-ONLY COPY).

The authoritative reference and input builder live on the scoring server;
editing this copy changes nothing except your own understanding.
"""

import jax, jax.numpy as jnp
import numpy as np

NUM_ITEM = 100000
B = 1024
L = 20
H = 64

def setup_inputs(seed: int = 0) -> dict:
    key = jax.random.key(seed)
    k1, k2, k3, k4, k5, k6 = jax.random.split(key, 6)
    all_memory = jax.random.normal(k1, (B, L, H), dtype=jnp.float32)
    last_memory = jax.random.normal(k2, (B, H), dtype=jnp.float32)
    seq_item = jax.random.randint(k3, (B, L), 0, NUM_ITEM).astype(jnp.int64)
    Wr = jax.random.normal(k4, (H, H), dtype=jnp.float32) * (1.0 / np.sqrt(H))
    Ur = jax.random.normal(k5, (H, H), dtype=jnp.float32) * (1.0 / np.sqrt(H))
    Vr_w = jax.random.normal(k6, (1, H), dtype=jnp.float32) * (1.0 / np.sqrt(H))
    Vr_b = jnp.zeros((1,), dtype=jnp.float32)
    return {"all_memory": all_memory, "last_memory": last_memory, "seq_item": seq_item, "Wr": Wr, "Ur": Ur, "Vr_w": Vr_w, "Vr_b": Vr_b}

def reference(all_memory, last_memory, seq_item, Wr, Ur, Vr_w, Vr_b):
    # dropout in eval mode -> identity
    am = jnp.einsum('blh,oh->blo', all_memory, Ur)           # Ur(all_memory)
    lm = (last_memory @ Wr.T)[:, None, :]                    # Wr(last_memory), broadcast over seq
    out = jnp.tanh(lm + am)                                  # (B, L, H)
    out = (jnp.einsum('blh,oh->blo', out, Vr_w) + Vr_b).squeeze(2)  # (B, L)
    out = jax.nn.softmax(out, axis=-1)                       # (B, L)
    # matmul with one-hot build_map == scatter-add of probs into item slots
    b_idx = jnp.arange(seq_item.shape[0])[:, None]
    res = jnp.zeros((seq_item.shape[0], NUM_ITEM), dtype=out.dtype).at[b_idx, seq_item].add(out)
    return res

if __name__ == "__main__":
    import jax
    _d = setup_inputs()
    print(jax.jit(kernel)(*tuple(_d.values())))

</pallas_src>

<mosaic_0001>
#map = affine_map<(d0, d1) -> (0, 0)>
module attributes {stable_mosaic.version = 14 : i64} {
  func.func @_sc_scatter_body(%arg0: i32, %arg1: i32, %arg2: memref<20x1024xi32, #tpu.memory_space<hbm>>, %arg3: memref<20x1024xf32, #tpu.memory_space<hbm>>, %arg4: memref<448x128xf32, #tpu.memory_space<hbm>>, %arg5: memref<100000x1024xf32, #tpu.memory_space<hbm>>, %arg6: memref<20x128xi32, #tpu.memory_space<vmem>>, %arg7: memref<20x128xf32, #tpu.memory_space<vmem>>, %arg8: memref<2576xi32, #tpu.memory_space<vmem>>, %arg9: memref<2576xi32, #tpu.memory_space<vmem>>, %arg10: memref<2576xf32, #tpu.memory_space<vmem>>, %arg11: memref<448x128xf32, #tpu.memory_space<vmem>>, %arg12: memref<448x128xf32, #tpu.memory_space<vmem>>, %arg13: memref<!tpu.dma_semaphore, #tpu.memory_space<semaphore_mem>>, %arg14: memref<!tpu.dma_semaphore, #tpu.memory_space<semaphore_mem>>, %arg15: memref<!tpu.dma_semaphore, #tpu.memory_space<semaphore_mem>>) attributes {dimension_semantics = [#tpu.dimension_semantics<core_parallel>, #tpu.dimension_semantics<subcore_parallel>], iteration_bounds = array<i64: 2, 16>, scalar_prefetch = 0 : i64, scratch_operands = 10 : i64, tpu.core_type = #tpu.core_type<sc_vector_subcore>, window_params = [{transform_indices = #map}, {transform_indices = #map}, {transform_indices = #map}, {transform_indices = #map}]} {
    %mul3A = arith.constant 2 : i32
    %mul3A_0 = arith.muli %arg1, %mul3A : i32
    %add3A = arith.addi %mul3A_0, %arg0 : i32
    %jit3A = arith.constant 4 : i32
    %div3A = arith.divsi %add3A, %jit3A : i32
    %sign3A = arith.constant 0 : i32
    %sign3A_1 = arith.cmpi sgt, %add3A, %sign3A : i32
    %sign3A_2 = arith.extui %sign3A_1 : i1 to i32
    %sign3A_3 = arith.constant 0 : i32
    %sign3A_4 = arith.cmpi slt, %add3A, %sign3A_3 : i32
    %sign3A_5 = arith.extui %sign3A_4 : i1 to i32
    %sign3A_6 = arith.subi %sign3A_2, %sign3A_5 : i32
    %sign3A_7 = arith.constant 0 : i32
    %sign3A_8 = arith.cmpi sgt, %jit3A, %sign3A_7 : i32
    %sign3A_9 = arith.extui %sign3A_8 : i1 to i32
    %sign3A_10 = arith.constant 0 : i32
    %sign3A_11 = arith.cmpi slt, %jit3A, %sign3A_10 : i32
    %sign3A_12 = arith.extui %sign3A_11 : i1 to i32
    %sign3A_13 = arith.subi %sign3A_9, %sign3A_12 : i32
    %ne3A = arith.cmpi ne, %sign3A_6, %sign3A_13 : i32
    %rem3A = arith.remsi %add3A, %jit3A : i32
    %ne3A_14 = arith.constant 0 : i32
    %ne3A_15 = arith.cmpi ne, %rem3A, %ne3A_14 : i32
    %and3A = arith.andi %ne3A, %ne3A_15 : i1
    %sub3A = arith.constant 1 : i32
    %sub3A_16 = arith.subi %div3A, %sub3A : i32
    %select_n3A = arith.select %and3A, %sub3A_16, %div3A : i32
    %jit3A_17 = arith.constant 4 : i32
    %eq3A = arith.constant 0 : i32
    %eq3A_18 = arith.cmpi eq, %jit3A_17, %eq3A : i32
    %jit3A_19 = arith.constant 1 : i32
    %select_n3A_20 = arith.select %eq3A_18, %jit3A_19, %jit3A_17 : i32
    %rem3A_21 = arith.remsi %add3A, %select_n3A_20 : i32
    %ne3A_22 = arith.constant 0 : i32
    %ne3A_23 = arith.cmpi ne, %rem3A_21, %ne3A_22 : i32
    %lt3A = arith.constant 0 : i32
    %lt3A_24 = arith.cmpi slt, %rem3A_21, %lt3A : i32
    %lt3A_25 = arith.constant 0 : i32
    %lt3A_26 = arith.cmpi slt, %select_n3A_20, %lt3A_25 : i32
    %ne3A_27 = arith.xori %lt3A_24, %lt3A_26 : i1
    %and3A_28 = arith.andi %ne3A_27, %ne3A_23 : i1
    %add3A_29 = arith.addi %rem3A_21, %select_n3A_20 : i32
    %select_n3A_30 = arith.select %and3A_28, %add3A_29, %rem3A_21 : i32
    %mul3A_31 = arith.constant 128 : i32
    %mul3A_32 = arith.muli %select_n3A, %mul3A_31 : i32
    %dma_start3A = arith.constant 0 : i32
    %dma_start3A_33 = tpu.memref_slice %arg2[%dma_start3A, %mul3A_32] : memref<20x1024xi32, #tpu.memory_space<hbm>> -> memref<20x128xi32, #tpu.memory_space<hbm>>
    %dma_start3A_34 = arith.constant 0 : i32
    %dma_start3A_35 = tpu.memref_slice %arg2[%dma_start3A_34, %mul3A_32] : memref<20x1024xi32, #tpu.memory_space<hbm>> -> memref<20x128xi32, #tpu.memory_space<hbm>>
    tpu.enqueue_dma source(%dma_start3A_35 : memref<20x128xi32, #tpu.memory_space<hbm>>) target(%arg6 : memref<20x128xi32, #tpu.memory_space<vmem>>) target_semaphore(%arg15 : memref<!tpu.dma_semaphore, #tpu.memory_space<semaphore_mem>>)
    %mul3A_36 = arith.constant 128 : i32
    %mul3A_37 = arith.muli %select_n3A, %mul3A_36 : i32
    %dma_start3A_38 = arith.constant 0 : i32
    %dma_start3A_39 = tpu.memref_slice %arg3[%dma_start3A_38, %mul3A_37] : memref<20x1024xf32, #tpu.memory_space<hbm>> -> memref<20x128xf32, #tpu.memory_space<hbm>>
    %dma_start3A_40 = arith.constant 0 : i32
    %dma_start3A_41 = tpu.memref_slice %arg3[%dma_start3A_40, %mul3A_37] : memref<20x1024xf32, #tpu.memory_space<hbm>> -> memref<20x128xf32, #tpu.memory_space<hbm>>
    tpu.enqueue_dma source(%dma_start3A_41 : memref<20x128xf32, #tpu.memory_space<hbm>>) target(%arg7 : memref<20x128xf32, #tpu.memory_space<vmem>>) target_semaphore(%arg15 : memref<!tpu.dma_semaphore, #tpu.memory_space<semaphore_mem>>)
    tpu.enqueue_dma source(%arg4 : memref<448x128xf32, #tpu.memory_space<hbm>>) target(%arg11 : memref<448x128xf32, #tpu.memory_space<vmem>>) target_semaphore(%arg15 : memref<!tpu.dma_semaphore, #tpu.memory_space<semaphore_mem>>)
    tpu.enqueue_dma source(%arg4 : memref<448x128xf32, #tpu.memory_space<hbm>>) target(%arg12 : memref<448x128xf32, #tpu.memory_space<vmem>>) target_semaphore(%arg15 : memref<!tpu.dma_semaphore, #tpu.memory_space<semaphore_mem>>)
    %dma_wait3A = arith.constant 0 : i32
    %dma_wait3A_42 = tpu.memref_slice %arg2[%dma_wait3A, %mul3A_32] : memref<20x1024xi32, #tpu.memory_space<hbm>> -> memref<20x128xi32, #tpu.memory_space<hbm>>
    %dma_wait3A_43 = arith.constant 0 : i32
    %dma_wait3A_44 = tpu.memref_slice %arg2[%dma_wait3A_43, %mul3A_32] : memref<20x1024xi32, #tpu.memory_space<hbm>> -> memref<20x128xi32, #tpu.memory_space<hbm>>
    tpu.wait_dma2 semaphore(%arg15 : memref<!tpu.dma_semaphore, #tpu.memory_space<semaphore_mem>>) src(%dma_wait3A_44 : memref<20x128xi32, #tpu.memory_space<hbm>>) dst(%arg6 : memref<20x128xi32, #tpu.memory_space<vmem>>)
    %dma_wait3A_45 = arith.constant 0 : i32
    %dma_wait3A_46 = tpu.memref_slice %arg3[%dma_wait3A_45, %mul3A_37] : memref<20x1024xf32, #tpu.memory_space<hbm>> -> memref<20x128xf32, #tpu.memory_space<hbm>>
    %dma_wait3A_47 = arith.constant 0 : i32
    %dma_wait3A_48 = tpu.memref_slice %arg3[%dma_wait3A_47, %mul3A_37] : memref<20x1024xf32, #tpu.memory_space<hbm>> -> memref<20x128xf32, #tpu.memory_space<hbm>>
    tpu.wait_dma2 semaphore(%arg15 : memref<!tpu.dma_semaphore, #tpu.memory_space<semaphore_mem>>) src(%dma_wait3A_48 : memref<20x128xf32, #tpu.memory_space<hbm>>) dst(%arg7 : memref<20x128xf32, #tpu.memory_space<vmem>>)
    tpu.wait_dma2 semaphore(%arg15 : memref<!tpu.dma_semaphore, #tpu.memory_space<semaphore_mem>>) src(%arg4 : memref<448x128xf32, #tpu.memory_space<hbm>>) dst(%arg11 : memref<448x128xf32, #tpu.memory_space<vmem>>)
    tpu.wait_dma2 semaphore(%arg15 : memref<!tpu.dma_semaphore, #tpu.memory_space<semaphore_mem>>) src(%arg4 : memref<448x128xf32, #tpu.memory_space<hbm>>) dst(%arg12 : memref<448x128xf32, #tpu.memory_space<vmem>>)
    %mul3A_49 = arith.constant 25000 : i32
    %mul3A_50 = arith.muli %select_n3A_30, %mul3A_49 : i32
    %mul3A_51 = arith.constant 128 : i32
    %mul3A_52 = arith.muli %select_n3A, %mul3A_51 : i32
    %multiple_of3A = tpu.assume_multiple %mul3A_52, 128 : i32
    %scan3A = arith.constant 0 : i32
    %scan3A_53 = arith.constant 0 : i32
    %scan3A_54 = arith.constant 160 : i32
    %scan3A_55 = arith.addi %scan3A_53, %scan3A_54 : i32
    %scan3A_56 = arith.constant 1 : i32
    %scan3A_57 = scf.for %scan3A_190 = %scan3A_53 to %scan3A_55 step %scan3A_56 iter_args(%scan3A_191 = %scan3A) -> (i32)  : i32 {
      %jit3A_192 = arith.constant 8 : i32
      %div3A_193 = arith.divsi %scan3A_190, %jit3A_192 : i32
      %sign3A_194 = arith.constant 0 : i32
      %sign3A_195 = arith.cmpi sgt, %scan3A_190, %sign3A_194 : i32
      %sign3A_196 = arith.extui %sign3A_195 : i1 to i32
      %sign3A_197 = arith.constant 0 : i32
      %sign3A_198 = arith.cmpi slt, %scan3A_190, %sign3A_197 : i32
      %sign3A_199 = arith.extui %sign3A_198 : i1 to i32
      %sign3A_200 = arith.subi %sign3A_196, %sign3A_199 : i32
      %sign3A_201 = arith.constant 0 : i32
      %sign3A_202 = arith.cmpi sgt, %jit3A_192, %sign3A_201 : i32
      %sign3A_203 = arith.extui %sign3A_202 : i1 to i32
      %sign3A_204 = arith.constant 0 : i32
      %sign3A_205 = arith.cmpi slt, %jit3A_192, %sign3A_204 : i32
      %sign3A_206 = arith.extui %sign3A_205 : i1 to i32
      %sign3A_207 = arith.subi %sign3A_203, %sign3A_206 : i32
      %ne3A_208 = arith.cmpi ne, %sign3A_200, %sign3A_207 : i32
      %rem3A_209 = arith.remsi %scan3A_190, %jit3A_192 : i32
      %ne3A_210 = arith.constant 0 : i32
      %ne3A_211 = arith.cmpi ne, %rem3A_209, %ne3A_210 : i32
      %and3A_212 = arith.andi %ne3A_208, %ne3A_211 : i1
      %sub3A_213 = arith.constant 1 : i32
      %sub3A_214 = arith.subi %div3A_193, %sub3A_213 : i32
      %select_n3A_215 = arith.select %and3A_212, %sub3A_214, %div3A_193 : i32
      %jit3A_216 = arith.constant 8 : i32
      %eq3A_217 = arith.constant 0 : i32
      %eq3A_218 = arith.cmpi eq, %jit3A_216, %eq3A_217 : i32
      %jit3A_219 = arith.constant 1 : i32
      %select_n3A_220 = arith.select %eq3A_218, %jit3A_219, %jit3A_216 : i32
      %rem3A_221 = arith.remsi %scan3A_190, %select_n3A_220 : i32
      %ne3A_222 = arith.constant 0 : i32
      %ne3A_223 = arith.cmpi ne, %rem3A_221, %ne3A_222 : i32
      %lt3A_224 = arith.constant 0 : i32
      %lt3A_225 = arith.cmpi slt, %rem3A_221, %lt3A_224 : i32
      %lt3A_226 = arith.constant 0 : i32
      %lt3A_227 = arith.cmpi slt, %select_n3A_220, %lt3A_226 : i32
      %ne3A_228 = arith.xori %lt3A_225, %lt3A_227 : i1
      %and3A_229 = arith.andi %ne3A_228, %ne3A_223 : i1
      %add3A_230 = arith.addi %rem3A_221, %select_n3A_220 : i32
      %select_n3A_231 = arith.select %and3A_229, %add3A_230, %rem3A_221 : i32
      %mul3A_232 = arith.constant 16 : i32
      %mul3A_233 = arith.muli %select_n3A_231, %mul3A_232 : i32
      %get3A = arith.index_cast %select_n3A_215 : i32 to index
      %get3A_234 = arith.index_cast %mul3A_233 : i32 to index
      %get3A_235 = tpu.vector_load %arg6[%get3A, %get3A_234] {strides = array<i32>} : memref<20x128xi32, #tpu.memory_space<vmem>>, vector<16xi32>,
      %sub3A_236 = vector.broadcast %mul3A_50 : i32 to vector<16xi32>
      %sub3A_237 = arith.subi %get3A_235, %sub3A_236 : vector<16xi32>
      %ge3A = arith.constant 0 : i32
      %ge3A_238 = vector.broadcast %ge3A : i32 to vector<16xi32>
      %ge3A_239 = arith.cmpi sge, %sub3A_237, %ge3A_238 : vector<16xi32>
      %lt3A_240 = arith.constant 25000 : i32
      %lt3A_241 = vector.broadcast %lt3A_240 : i32 to vector<16xi32>
      %lt3A_242 = arith.cmpi slt, %sub3A_237, %lt3A_241 : vector<16xi32>
      %and3A_243 = arith.andi %ge3A_239, %lt3A_242 : vector<16xi1>
      %iota3A = tpu.iota {dimensions = array<i32: 0>} : vector<16xi32>
      %add3A_244 = vector.broadcast %mul3A_233 : i32 to vector<16xi32>
      %add3A_245 = arith.addi %iota3A, %add3A_244 : vector<16xi32>
      %swap3A_246 = arith.index_cast %scan3A_191 : i32 to index
      %swap3A_247 = tpu.vector_load %arg8[%swap3A_246] masked %and3A_243 {strides = array<i32>} : memref<2576xi32, #tpu.memory_space<vmem>>, vector<16xi32>, vector<16xi1>
      tpu.vector_store %arg8[%swap3A_246], %sub3A_237 masked %and3A_243 {strides = array<i32>} : memref<2576xi32, #tpu.memory_space<vmem>>, vector<16xi32>, vector<16xi1>
      %swap3A_248 = arith.index_cast %scan3A_191 : i32 to index
      %swap3A_249 = tpu.vector_load %arg9[%swap3A_248] masked %and3A_243 {strides = array<i32>} : memref<2576xi32, #tpu.memory_space<vmem>>, vector<16xi32>, vector<16xi1>
      tpu.vector_store %arg9[%swap3A_248], %add3A_245 masked %and3A_243 {strides = array<i32>} : memref<2576xi32, #tpu.memory_space<vmem>>, vector<16xi32>, vector<16xi1>
      %get3A_250 = arith.index_cast %select_n3A_215 : i32 to index
      %get3A_251 = arith.index_cast %mul3A_233 : i32 to index
      %get3A_252 = tpu.vector_load %arg7[%get3A_250, %get3A_251] {strides = array<i32>} : memref<20x128xf32, #tpu.memory_space<vmem>>, vector<16xf32>,
      %swap3A_253 = arith.index_cast %scan3A_191 : i32 to index
      %swap3A_254 = tpu.vector_load %arg10[%swap3A_253] masked %and3A_243 {strides = array<i32>} : memref<2576xf32, #tpu.memory_space<vmem>>, vector<16xf32>, vector<16xi1>
      tpu.vector_store %arg10[%swap3A_253], %get3A_252 masked %and3A_243 {strides = array<i32>} : memref<2576xf32, #tpu.memory_space<vmem>>, vector<16xf32>, vector<16xi1>
      %convert_element_type3A = arith.extui %and3A_243 : vector<16xi1> to vector<16xi32>
      %reduce_sum3A = arith.constant true
      %reduce_sum3A_255 = vector.broadcast %reduce_sum3A : i1 to vector<16xi1>
      %reduce_sum3A_256 = tpu.scan <sum>, %convert_element_type3A masked %reduce_sum3A_255 : vector<16xi32>, vector<16xi1> -> vector<16xi32>
      %reduce_sum3A_257 = vector.extract %reduce_sum3A_256[15] : i32 from vector<16xi32>
      %add3A_258 = arith.addi %scan3A_191, %reduce_sum3A_257 : i32
      scf.yield %add3A_258 : i32
    }
    %scan3A_58 = arith.constant 160 : i32
    %broadcast_in_dim3A = arith.constant -1 : i32
    %broadcast_in_dim3A_59 = vector.broadcast %broadcast_in_dim3A : i32 to vector<16xi32>
    %swap3A = arith.index_cast %scan3A_57 : i32 to index
    %swap3A_60 = tpu.vector_load %arg8[%swap3A] {strides = array<i32>} : memref<2576xi32, #tpu.memory_space<vmem>>, vector<16xi32>,
    tpu.vector_store %arg8[%swap3A], %broadcast_in_dim3A_59 {strides = array<i32>} : memref<2576xi32, #tpu.memory_space<vmem>>, vector<16xi32>,
    %add3A_61 = arith.constant 15 : i32
    %add3A_62 = arith.addi %scan3A_57, %add3A_61 : i32
    %jit3A_63 = arith.constant 16 : i32
    %div3A_64 = arith.divsi %add3A_62, %jit3A_63 : i32
    %sign3A_65 = arith.constant 0 : i32
    %sign3A_66 = arith.cmpi sgt, %add3A_62, %sign3A_65 : i32
    %sign3A_67 = arith.extui %sign3A_66 : i1 to i32
    %sign3A_68 = arith.constant 0 : i32
    %sign3A_69 = arith.cmpi slt, %add3A_62, %sign3A_68 : i32
    %sign3A_70 = arith.extui %sign3A_69 : i1 to i32
    %sign3A_71 = arith.subi %sign3A_67, %sign3A_70 : i32
    %sign3A_72 = arith.constant 0 : i32
    %sign3A_73 = arith.cmpi sgt, %jit3A_63, %sign3A_72 : i32
    %sign3A_74 = arith.extui %sign3A_73 : i1 to i32
    %sign3A_75 = arith.constant 0 : i32
    %sign3A_76 = arith.cmpi slt, %jit3A_63, %sign3A_75 : i32
    %sign3A_77 = arith.extui %sign3A_76 : i1 to i32
    %sign3A_78 = arith.subi %sign3A_74, %sign3A_77 : i32
    %ne3A_79 = arith.cmpi ne, %sign3A_71, %sign3A_78 : i32
    %rem3A_80 = arith.remsi %add3A_62, %jit3A_63 : i32
    %ne3A_81 = arith.constant 0 : i32
    %ne3A_82 = arith.cmpi ne, %rem3A_80, %ne3A_81 : i32
    %and3A_83 = arith.andi %ne3A_79, %ne3A_82 : i1
    %sub3A_84 = arith.constant 1 : i32
    %sub3A_85 = arith.subi %div3A_64, %sub3A_84 : i32
    %select_n3A_86 = arith.select %and3A_83, %sub3A_85, %div3A_64 : i32
    %while3A = arith.constant 0 : i32
    %while3A_87 = arith.constant 0 : i32
    %while3A_88 = arith.subi %select_n3A_86, %while3A : i32
    %while3A_89 = arith.addi %while3A, %while3A_88 : i32
    %while3A_90 = arith.constant 1 : i32
    %while3A_91 = arith.divsi %while3A_88, %while3A_90 : i32
    %while3A_92 = arith.muli %while3A_91, %while3A_90 : i32
    %while3A_93 = arith.addi %while3A, %while3A_92 : i32
    %while3A_94 = arith.constant 1 : i32
    %while3A_95 = scf.for %while3A_190 = %while3A to %while3A_93 step %while3A_94 iter_args(%while3A_191 = %while3A_87) -> (i32)  : i32 {
      %mul3A_192 = arith.constant 16 : i32
      %mul3A_193 = arith.muli %while3A_190, %mul3A_192 : i32
      %get3A = arith.index_cast %mul3A_193 : i32 to index
      %get3A_194 = tpu.vector_load %arg8[%get3A] {strides = array<i32>} : memref<2576xi32, #tpu.memory_space<vmem>>, vector<16xi32>,
      %get3A_195 = arith.index_cast %mul3A_193 : i32 to index
      %get3A_196 = tpu.vector_load %arg9[%get3A_195] {strides = array<i32>} : memref<2576xi32, #tpu.memory_space<vmem>>, vector<16xi32>,
      %get3A_197 = arith.index_cast %mul3A_193 : i32 to index
      %get3A_198 = tpu.vector_load %arg10[%get3A_197] {strides = array<i32>} : memref<2576xf32, #tpu.memory_space<vmem>>, vector<16xf32>,
      %sub3A_199 = arith.constant -1073741824 : i32
      %sub3A_200 = vector.broadcast %sub3A_199 : i32 to vector<16xi32>
      %sub3A_201 = arith.subi %get3A_194, %sub3A_200 : vector<16xi32>
      %ge3A = arith.constant 0 : i32
      %ge3A_202 = vector.broadcast %ge3A : i32 to vector<16xi32>
      %ge3A_203 = arith.cmpi sge, %sub3A_201, %ge3A_202 : vector<16xi32>
      %lt3A_204 = arith.constant 448 : i32
      %lt3A_205 = vector.broadcast %lt3A_204 : i32 to vector<16xi32>
      %lt3A_206 = arith.cmpi slt, %sub3A_201, %lt3A_205 : vector<16xi32>
      %and3A_207 = arith.andi %ge3A_203, %lt3A_206 : vector<16xi1>
      %jit3A_208 = arith.constant 0 : i32
      %broadcast_in_dim3A_209 = vector.broadcast %jit3A_208 : i32 to vector<16xi32>
      %select_n3A_210 = arith.select %and3A_207, %sub3A_201, %broadcast_in_dim3A_209 : vector<16xi1>, vector<16xi32>
      %broadcast_in_dim3A_211 = arith.constant 0.000000e+00 : f32
      %broadcast_in_dim3A_212 = vector.broadcast %broadcast_in_dim3A_211 : f32 to vector<16xf32>
      tpu.vector_store_idx %arg11[%select_n3A_210, %get3A_196], %broadcast_in_dim3A_212 masked %and3A_207 : memref<448x128xf32, #tpu.memory_space<vmem>>[vector<16xi32>, vector<16xi32>], vector<16xf32>, vector<16xi1>
      %sub3A_213 = arith.constant 0 : i32
      %sub3A_214 = vector.broadcast %sub3A_213 : i32 to vector<16xi32>
      %sub3A_215 = arith.subi %get3A_194, %sub3A_214 : vector<16xi32>
      %ge3A_216 = arith.constant 0 : i32
      %ge3A_217 = vector.broadcast %ge3A_216 : i32 to vector<16xi32>
      %ge3A_218 = arith.cmpi sge, %sub3A_215, %ge3A_217 : vector<16xi32>
      %lt3A_219 = arith.constant 448 : i32
      %lt3A_220 = vector.broadcast %lt3A_219 : i32 to vector<16xi32>
      %lt3A_221 = arith.cmpi slt, %sub3A_215, %lt3A_220 : vector<16xi32>
      %and3A_222 = arith.andi %ge3A_218, %lt3A_221 : vector<16xi1>
      %jit3A_223 = arith.constant 0 : i32
      %broadcast_in_dim3A_224 = vector.broadcast %jit3A_223 : i32 to vector<16xi32>
      %select_n3A_225 = arith.select %and3A_222, %sub3A_215, %broadcast_in_dim3A_224 : vector<16xi1>, vector<16xi32>
      tpu.vector_store_idx %arg11[%select_n3A_225, %get3A_196], %get3A_198 masked %and3A_222 : memref<448x128xf32, #tpu.memory_space<vmem>>[vector<16xi32>, vector<16xi32>], vector<16xf32>, vector<16xi1>
      %while3A_226 = arith.constant 0 : i32
      scf.yield %while3A_226 : i32
    }
    %while3A_96 = arith.constant 1 : i32
    %while3A_97 = scf.for %while3A_190 = %while3A_93 to %while3A_89 step %while3A_96 iter_args(%while3A_191 = %while3A_95) -> (i32)  : i32 {
      %mul3A_192 = arith.constant 16 : i32
      %mul3A_193 = arith.muli %while3A_190, %mul3A_192 : i32
      %get3A = arith.index_cast %mul3A_193 : i32 to index
      %get3A_194 = tpu.vector_load %arg8[%get3A] {strides = array<i32>} : memref<2576xi32, #tpu.memory_space<vmem>>, vector<16xi32>,
      %get3A_195 = arith.index_cast %mul3A_193 : i32 to index
      %get3A_196 = tpu.vector_load %arg9[%get3A_195] {strides = array<i32>} : memref<2576xi32, #tpu.memory_space<vmem>>, vector<16xi32>,
      %get3A_197 = arith.index_cast %mul3A_193 : i32 to index
      %get3A_198 = tpu.vector_load %arg10[%get3A_197] {strides = array<i32>} : memref<2576xf32, #tpu.memory_space<vmem>>, vector<16xf32>,
      %sub3A_199 = arith.constant -1073741824 : i32
      %sub3A_200 = vector.broadcast %sub3A_199 : i32 to vector<16xi32>
      %sub3A_201 = arith.subi %get3A_194, %sub3A_200 : vector<16xi32>
      %ge3A = arith.constant 0 : i32
      %ge3A_202 = vector.broadcast %ge3A : i32 to vector<16xi32>
      %ge3A_203 = arith.cmpi sge, %sub3A_201, %ge3A_202 : vector<16xi32>
      %lt3A_204 = arith.constant 448 : i32
      %lt3A_205 = vector.broadcast %lt3A_204 : i32 to vector<16xi32>
      %lt3A_206 = arith.cmpi slt, %sub3A_201, %lt3A_205 : vector<16xi32>
      %and3A_207 = arith.andi %ge3A_203, %lt3A_206 : vector<16xi1>
      %jit3A_208 = arith.constant 0 : i32
      %broadcast_in_dim3A_209 = vector.broadcast %jit3A_208 : i32 to vector<16xi32>
      %select_n3A_210 = arith.select %and3A_207, %sub3A_201, %broadcast_in_dim3A_209 : vector<16xi1>, vector<16xi32>
      %broadcast_in_dim3A_211 = arith.constant 0.000000e+00 : f32
      %broadcast_in_dim3A_212 = vector.broadcast %broadcast_in_dim3A_211 : f32 to vector<16xf32>
      tpu.vector_store_idx %arg11[%select_n3A_210, %get3A_196], %broadcast_in_dim3A_212 masked %and3A_207 : memref<448x128xf32, #tpu.memory_space<vmem>>[vector<16xi32>, vector<16xi32>], vector<16xf32>, vector<16xi1>
      %sub3A_213 = arith.constant 0 : i32
      %sub3A_214 = vector.broadcast %sub3A_213 : i32 to vector<16xi32>
      %sub3A_215 = arith.subi %get3A_194, %sub3A_214 : vector<16xi32>
      %ge3A_216 = arith.constant 0 : i32
      %ge3A_217 = vector.broadcast %ge3A_216 : i32 to vector<16xi32>
      %ge3A_218 = arith.cmpi sge, %sub3A_215, %ge3A_217 : vector<16xi32>
      %lt3A_219 = arith.constant 448 : i32
      %lt3A_220 = vector.broadcast %lt3A_219 : i32 to vector<16xi32>
      %lt3A_221 = arith.cmpi slt, %sub3A_215, %lt3A_220 : vector<16xi32>
      %and3A_222 = arith.andi %ge3A_218, %lt3A_221 : vector<16xi1>
      %jit3A_223 = arith.constant 0 : i32
      %broadcast_in_dim3A_224 = vector.broadcast %jit3A_223 : i32 to vector<16xi32>
      %select_n3A_225 = arith.select %and3A_222, %sub3A_215, %broadcast_in_dim3A_224 : vector<16xi1>, vector<16xi32>
      tpu.vector_store_idx %arg11[%select_n3A_225, %get3A_196], %get3A_198 masked %and3A_222 : memref<448x128xf32, #tpu.memory_space<vmem>>[vector<16xi32>, vector<16xi32>], vector<16xf32>, vector<16xi1>
      %while3A_226 = arith.constant 0 : i32
      scf.yield %while3A_226 : i32
    }
    %add3A_98 = arith.constant 0 : i32
    %add3A_99 = arith.addi %mul3A_50, %add3A_98 : i32
    %multiple_of3A_100 = tpu.assume_multiple %add3A_99, 8 : i32
    %dma_start3A_101 = tpu.memref_slice %arg5[%multiple_of3A_100, %multiple_of3A] : memref<100000x1024xf32, #tpu.memory_space<hbm>> -> memref<448x128xf32, #tpu.memory_space<hbm>>
    %dma_start3A_102 = tpu.memref_slice %arg5[%multiple_of3A_100, %multiple_of3A] : memref<100000x1024xf32, #tpu.memory_space<hbm>> -> memref<448x128xf32, #tpu.memory_space<hbm>>
    tpu.enqueue_dma source(%arg11 : memref<448x128xf32, #tpu.memory_space<vmem>>) target(%dma_start3A_102 : memref<448x128xf32, #tpu.memory_space<hbm>>) target_semaphore(%arg13 : memref<!tpu.dma_semaphore, #tpu.memory_space<semaphore_mem>>)
    %while3A_103 = arith.constant 0 : i32
    %while3A_104 = arith.constant 0 : i32
    %while3A_105 = arith.subi %select_n3A_86, %while3A_103 : i32
    %while3A_106 = arith.addi %while3A_103, %while3A_105 : i32
    %while3A_107 = arith.constant 1 : i32
    %while3A_108 = arith.divsi %while3A_105, %while3A_107 : i32
    %while3A_109 = arith.muli %while3A_108, %while3A_107 : i32
    %while3A_110 = arith.addi %while3A_103, %while3A_109 : i32
    %while3A_111 = arith.constant 1 : i32
    %while3A_112 = scf.for %while3A_190 = %while3A_103 to %while3A_110 step %while3A_111 iter_args(%while3A_191 = %while3A_104) -> (i32)  : i32 {
      %mul3A_192 = arith.constant 16 : i32
      %mul3A_193 = arith.muli %while3A_190, %mul3A_192 : i32
      %get3A = arith.index_cast %mul3A_193 : i32 to index
      %get3A_194 = tpu.vector_load %arg8[%get3A] {strides = array<i32>} : memref<2576xi32, #tpu.memory_space<vmem>>, vector<16xi32>,
      %get3A_195 = arith.index_cast %mul3A_193 : i32 to index
      %get3A_196 = tpu.vector_load %arg9[%get3A_195] {strides = array<i32>} : memref<2576xi32, #tpu.memory_space<vmem>>, vector<16xi32>,
      %get3A_197 = arith.index_cast %mul3A_193 : i32 to index
      %get3A_198 = tpu.vector_load %arg10[%get3A_197] {strides = array<i32>} : memref<2576xf32, #tpu.memory_space<vmem>>, vector<16xf32>,
      %sub3A_199 = arith.constant -1073741824 : i32
      %sub3A_200 = vector.broadcast %sub3A_199 : i32 to vector<16xi32>
      %sub3A_201 = arith.subi %get3A_194, %sub3A_200 : vector<16xi32>
      %ge3A = arith.constant 0 : i32
      %ge3A_202 = vector.broadcast %ge3A : i32 to vector<16xi32>
      %ge3A_203 = arith.cmpi sge, %sub3A_201, %ge3A_202 : vector<16xi32>
      %lt3A_204 = arith.constant 448 : i32
      %lt3A_205 = vector.broadcast %lt3A_204 : i32 to vector<16xi32>
      %lt3A_206 = arith.cmpi slt, %sub3A_201, %lt3A_205 : vector<16xi32>
      %and3A_207 = arith.andi %ge3A_203, %lt3A_206 : vector<16xi1>
      %jit3A_208 = arith.constant 0 : i32
      %broadcast_in_dim3A_209 = vector.broadcast %jit3A_208 : i32 to vector<16xi32>
      %select_n3A_210 = arith.select %and3A_207, %sub3A_201, %broadcast_in_dim3A_209 : vector<16xi1>, vector<16xi32>
      %broadcast_in_dim3A_211 = arith.constant 0.000000e+00 : f32
      %broadcast_in_dim3A_212 = vector.broadcast %broadcast_in_dim3A_211 : f32 to vector<16xf32>
      tpu.vector_store_idx %arg12[%select_n3A_210, %get3A_196], %broadcast_in_dim3A_212 masked %and3A_207 : memref<448x128xf32, #tpu.memory_space<vmem>>[vector<16xi32>, vector<16xi32>], vector<16xf32>, vector<16xi1>
      %sub3A_213 = arith.constant 448 : i32
      %sub3A_214 = vector.broadcast %sub3A_213 : i32 to vector<16xi32>
      %sub3A_215 = arith.subi %get3A_194, %sub3A_214 : vector<16xi32>
      %ge3A_216 = arith.constant 0 : i32
      %ge3A_217 = vector.broadcast %ge3A_216 : i32 to vector<16xi32>
      %ge3A_218 = arith.cmpi sge, %sub3A_215, %ge3A_217 : vector<16xi32>
      %lt3A_219 = arith.constant 448 : i32
      %lt3A_220 = vector.broadcast %lt3A_219 : i32 to vector<16xi32>
      %lt3A_221 = arith.cmpi slt, %sub3A_215, %lt3A_220 : vector<16xi32>
      %and3A_222 = arith.andi %ge3A_218, %lt3A_221 : vector<16xi1>
      %jit3A_223 = arith.constant 0 : i32
      %broadcast_in_dim3A_224 = vector.broadcast %jit3A_223 : i32 to vector<16xi32>
      %select_n3A_225 = arith.select %and3A_222, %sub3A_215, %broadcast_in_dim3A_224 : vector<16xi1>, vector<16xi32>
      tpu.vector_store_idx %arg12[%select_n3A_225, %get3A_196], %get3A_198 masked %and3A_222 : memref<448x128xf32, #tpu.memory_space<vmem>>[vector<16xi32>, vector<16xi32>], vector<16xf32>, vector<16xi1>
      %while3A_226 = arith.constant 0 : i32
      scf.yield %while3A_226 : i32
    }
    %while3A_113 = arith.constant 1 : i32
    %while3A_114 = scf.for %while3A_190 = %while3A_110 to %while3A_106 step %while3A_113 iter_args(%while3A_191 = %while3A_112) -> (i32)  : i32 {
      %mul3A_192 = arith.constant 16 : i32
      %mul3A_193 = arith.muli %while3A_190, %mul3A_192 : i32
      %get3A = arith.index_cast %mul3A_193 : i32 to index
      %get3A_194 = tpu.vector_load %arg8[%get3A] {strides = array<i32>} : memref<2576xi32, #tpu.memory_space<vmem>>, vector<16xi32>,
      %get3A_195 = arith.index_cast %mul3A_193 : i32 to index
      %get3A_196 = tpu.vector_load %arg9[%get3A_195] {strides = array<i32>} : memref<2576xi32, #tpu.memory_space<vmem>>, vector<16xi32>,
      %get3A_197 = arith.index_cast %mul3A_193 : i32 to index
      %get3A_198 = tpu.vector_load %arg10[%get3A_197] {strides = array<i32>} : memref<2576xf32, #tpu.memory_space<vmem>>, vector<16xf32>,
      %sub3A_199 = arith.constant -1073741824 : i32
      %sub3A_200 = vector.broadcast %sub3A_199 : i32 to vector<16xi32>
      %sub3A_201 = arith.subi %get3A_194, %sub3A_200 : vector<16xi32>
      %ge3A = arith.constant 0 : i32
      %ge3A_202 = vector.broadcast %ge3A : i32 to vector<16xi32>
      %ge3A_203 = arith.cmpi sge, %sub3A_201, %ge3A_202 : vector<16xi32>
      %lt3A_204 = arith.constant 448 : i32
      %lt3A_205 = vector.broadcast %lt3A_204 : i32 to vector<16xi32>
      %lt3A_206 = arith.cmpi slt, %sub3A_201, %lt3A_205 : vector<16xi32>
      %and3A_207 = arith.andi %ge3A_203, %lt3A_206 : vector<16xi1>
      %jit3A_208 = arith.constant 0 : i32
      %broadcast_in_dim3A_209 = vector.broadcast %jit3A_208 : i32 to vector<16xi32>
      %select_n3A_210 = arith.select %and3A_207, %sub3A_201, %broadcast_in_dim3A_209 : vector<16xi1>, vector<16xi32>
      %broadcast_in_dim3A_211 = arith.constant 0.000000e+00 : f32
      %broadcast_in_dim3A_212 = vector.broadcast %broadcast_in_dim3A_211 : f32 to vector<16xf32>
      tpu.vector_store_idx %arg12[%select_n3A_210, %get3A_196], %broadcast_in_dim3A_212 masked %and3A_207 : memref<448x128xf32, #tpu.memory_space<vmem>>[vector<16xi32>, vector<16xi32>], vector<16xf32>, vector<16xi1>
      %sub3A_213 = arith.constant 448 : i32
      %sub3A_214 = vector.broadcast %sub3A_213 : i32 to vector<16xi32>
      %sub3A_215 = arith.subi %get3A_194, %sub3A_214 : vector<16xi32>
      %ge3A_216 = arith.constant 0 : i32
      %ge3A_217 = vector.broadcast %ge3A_216 : i32 to vector<16xi32>
      %ge3A_218 = arith.cmpi sge, %sub3A_215, %ge3A_217 : vector<16xi32>
      %lt3A_219 = arith.constant 448 : i32
      %lt3A_220 = vector.broadcast %lt3A_219 : i32 to vector<16xi32>
      %lt3A_221 = arith.cmpi slt, %sub3A_215, %lt3A_220 : vector<16xi32>
      %and3A_222 = arith.andi %ge3A_218, %lt3A_221 : vector<16xi1>
      %jit3A_223 = arith.constant 0 : i32
      %broadcast_in_dim3A_224 = vector.broadcast %jit3A_223 : i32 to vector<16xi32>
      %select_n3A_225 = arith.select %and3A_222, %sub3A_215, %broadcast_in_dim3A_224 : vector<16xi1>, vector<16xi32>
      tpu.vector_store_idx %arg12[%select_n3A_225, %get3A_196], %get3A_198 masked %and3A_222 : memref<448x128xf32, #tpu.memory_space<vmem>>[vector<16xi32>, vector<16xi32>], vector<16xf32>, vector<16xi1>
      %while3A_226 = arith.constant 0 : i32
      scf.yield %while3A_226 : i32
    }
    %add3A_115 = arith.constant 448 : i32
    %add3A_116 = arith.addi %mul3A_50, %add3A_115 : i32
    %multiple_of3A_117 = tpu.assume_multiple %add3A_116, 8 : i32
    %dma_start3A_118 = tpu.memref_slice %arg5[%multiple_of3A_117, %multiple_of3A] : memref<100000x1024xf32, #tpu.memory_space<hbm>> -> memref<448x128xf32, #tpu.memory_space<hbm>>
    %dma_start3A_119 = tpu.memref_slice %arg5[%multiple_of3A_117, %multiple_of3A] : memref<100000x1024xf32, #tpu.memory_space<hbm>> -> memref<448x128xf32, #tpu.memory_space<hbm>>
    tpu.enqueue_dma source(%arg12 : memref<448x128xf32, #tpu.memory_space<vmem>>) target(%dma_start3A_119 : memref<448x128xf32, #tpu.memory_space<hbm>>) target_semaphore(%arg14 : memref<!tpu.dma_semaphore, #tpu.memory_space<semaphore_mem>>)
    %scan3A_120 = arith.constant 0 : i32
    %scan3A_121 = arith.constant 1 : i32
    %scan3A_122 = arith.constant 26 : i32
    %scan3A_123 = arith.addi %scan3A_121, %scan3A_122 : i32
    %scan3A_124 = arith.constant 1 : i32
    %scan3A_125 = scf.for %scan3A_190 = %scan3A_121 to %scan3A_123 step %scan3A_124 iter_args(%scan3A_191 = %scan3A_120) -> (i32)  : i32 {
      %mul3A_192 = arith.constant 2 : i32
      %mul3A_193 = arith.muli %mul3A_192, %scan3A_190 : i32
      %add3A_194 = arith.constant 0 : i32
      %add3A_195 = arith.addi %mul3A_193, %add3A_194 : i32
      %sub3A_196 = arith.constant 2 : i32
      %sub3A_197 = arith.subi %add3A_195, %sub3A_196 : i32
      %mul3A_198 = arith.constant 448 : i32
      %mul3A_199 = arith.muli %sub3A_197, %mul3A_198 : i32
      %add3A_200 = arith.addi %mul3A_50, %mul3A_199 : i32
      %multiple_of3A_201 = tpu.assume_multiple %add3A_200, 8 : i32
      %dma_wait3A_202 = tpu.memref_slice %arg5[%multiple_of3A_201, %multiple_of3A] : memref<100000x1024xf32, #tpu.memory_space<hbm>> -> memref<448x128xf32, #tpu.memory_space<hbm>>
      %dma_wait3A_203 = tpu.memref_slice %arg5[%multiple_of3A_201, %multiple_of3A] : memref<100000x1024xf32, #tpu.memory_space<hbm>> -> memref<448x128xf32, #tpu.memory_space<hbm>>
      tpu.wait_dma2 semaphore(%arg13 : memref<!tpu.dma_semaphore, #tpu.memory_space<semaphore_mem>>) src(%arg11 : memref<448x128xf32, #tpu.memory_space<vmem>>) dst(%dma_wait3A_203 : memref<448x128xf32, #tpu.memory_space<hbm>>)
      %sub3A_204 = arith.constant 2 : i32
      %sub3A_205 = arith.subi %add3A_195, %sub3A_204 : i32
      %mul3A_206 = arith.constant 448 : i32
      %mul3A_207 = arith.muli %sub3A_205, %mul3A_206 : i32
      %mul3A_208 = arith.constant 448 : i32
      %mul3A_209 = arith.muli %add3A_195, %mul3A_208 : i32
      %while3A_210 = arith.constant 0 : i32
      %while3A_211 = arith.constant 0 : i32
      %while3A_212 = arith.subi %select_n3A_86, %while3A_210 : i32
      %while3A_213 = arith.addi %while3A_210, %while3A_212 : i32
      %while3A_214 = arith.constant 1 : i32
      %while3A_215 = arith.divsi %while3A_212, %while3A_214 : i32
      %while3A_216 = arith.muli %while3A_215, %while3A_214 : i32
      %while3A_217 = arith.addi %while3A_210, %while3A_216 : i32
      %while3A_218 = arith.constant 1 : i32
      %while3A_219 = scf.for %while3A_265 = %while3A_210 to %while3A_217 step %while3A_218 iter_args(%while3A_266 = %while3A_211) -> (i32)  : i32 {
        %mul3A_267 = arith.constant 16 : i32
        %mul3A_268 = arith.muli %while3A_265, %mul3A_267 : i32
        %get3A = arith.index_cast %mul3A_268 : i32 to index
        %get3A_269 = tpu.vector_load %arg8[%get3A] {strides = array<i32>} : memref<2576xi32, #tpu.memory_space<vmem>>, vector<16xi32>,
        %get3A_270 = arith.index_cast %mul3A_268 : i32 to index
        %get3A_271 = tpu.vector_load %arg9[%get3A_270] {strides = array<i32>} : memref<2576xi32, #tpu.memory_space<vmem>>, vector<16xi32>,
        %get3A_272 = arith.index_cast %mul3A_268 : i32 to index
        %get3A_273 = tpu.vector_load %arg10[%get3A_272] {strides = array<i32>} : memref<2576xf32, #tpu.memory_space<vmem>>, vector<16xf32>,
        %sub3A_274 = vector.broadcast %mul3A_207 : i32 to vector<16xi32>
        %sub3A_275 = arith.subi %get3A_269, %sub3A_274 : vector<16xi32>
        %ge3A = arith.constant 0 : i32
        %ge3A_276 = vector.broadcast %ge3A : i32 to vector<16xi32>
        %ge3A_277 = arith.cmpi sge, %sub3A_275, %ge3A_276 : vector<16xi32>
        %lt3A_278 = arith.constant 448 : i32
        %lt3A_279 = vector.broadcast %lt3A_278 : i32 to vector<16xi32>
        %lt3A_280 = arith.cmpi slt, %sub3A_275, %lt3A_279 : vector<16xi32>
        %and3A_281 = arith.andi %ge3A_277, %lt3A_280 : vector<16xi1>
        %jit3A_282 = arith.constant 0 : i32
        %broadcast_in_dim3A_283 = vector.broadcast %jit3A_282 : i32 to vector<16xi32>
        %select_n3A_284 = arith.select %and3A_281, %sub3A_275, %broadcast_in_dim3A_283 : vector<16xi1>, vector<16xi32>
        %broadcast_in_dim3A_285 = arith.constant 0.000000e+00 : f32
        %broadcast_in_dim3A_286 = vector.broadcast %broadcast_in_dim3A_285 : f32 to vector<16xf32>
        tpu.vector_store_idx %arg11[%select_n3A_284, %get3A_271], %broadcast_in_dim3A_286 masked %and3A_281 : memref<448x128xf32, #tpu.memory_space<vmem>>[vector<16xi32>, vector<16xi32>], vector<16xf32>, vector<16xi1>
        %sub3A_287 = vector.broadcast %mul3A_209 : i32 to vector<16xi32>
        %sub3A_288 = arith.subi %get3A_269, %sub3A_287 : vector<16xi32>
        %ge3A_289 = arith.constant 0 : i32
        %ge3A_290 = vector.broadcast %ge3A_289 : i32 to vector<16xi32>
        %ge3A_291 = arith.cmpi sge, %sub3A_288, %ge3A_290 : vector<16xi32>
        %lt3A_292 = arith.constant 448 : i32
        %lt3A_293 = vector.broadcast %lt3A_292 : i32 to vector<16xi32>
        %lt3A_294 = arith.cmpi slt, %sub3A_288, %lt3A_293 : vector<16xi32>
        %and3A_295 = arith.andi %ge3A_291, %lt3A_294 : vector<16xi1>
        %jit3A_296 = arith.constant 0 : i32
        %broadcast_in_dim3A_297 = vector.broadcast %jit3A_296 : i32 to vector<16xi32>
        %select_n3A_298 = arith.select %and3A_295, %sub3A_288, %broadcast_in_dim3A_297 : vector<16xi1>, vector<16xi32>
        tpu.vector_store_idx %arg11[%select_n3A_298, %get3A_271], %get3A_273 masked %and3A_295 : memref<448x128xf32, #tpu.memory_space<vmem>>[vector<16xi32>, vector<16xi32>], vector<16xf32>, vector<16xi1>
        %while3A_299 = arith.constant 0 : i32
        scf.yield %while3A_299 : i32
      }
      %while3A_220 = arith.constant 1 : i32
      %while3A_221 = scf.for %while3A_265 = %while3A_217 to %while3A_213 step %while3A_220 iter_args(%while3A_266 = %while3A_219) -> (i32)  : i32 {
        %mul3A_267 = arith.constant 16 : i32
        %mul3A_268 = arith.muli %while3A_265, %mul3A_267 : i32
        %get3A = arith.index_cast %mul3A_268 : i32 to index
        %get3A_269 = tpu.vector_load %arg8[%get3A] {strides = array<i32>} : memref<2576xi32, #tpu.memory_space<vmem>>, vector<16xi32>,
        %get3A_270 = arith.index_cast %mul3A_268 : i32 to index
        %get3A_271 = tpu.vector_load %arg9[%get3A_270] {strides = array<i32>} : memref<2576xi32, #tpu.memory_space<vmem>>, vector<16xi32>,
        %get3A_272 = arith.index_cast %mul3A_268 : i32 to index
        %get3A_273 = tpu.vector_load %arg10[%get3A_272] {strides = array<i32>} : memref<2576xf32, #tpu.memory_space<vmem>>, vector<16xf32>,
        %sub3A_274 = vector.broadcast %mul3A_207 : i32 to vector<16xi32>
        %sub3A_275 = arith.subi %get3A_269, %sub3A_274 : vector<16xi32>
        %ge3A = arith.constant 0 : i32
        %ge3A_276 = vector.broadcast %ge3A : i32 to vector<16xi32>
        %ge3A_277 = arith.cmpi sge, %sub3A_275, %ge3A_276 : vector<16xi32>
        %lt3A_278 = arith.constant 448 : i32
        %lt3A_279 = vector.broadcast %lt3A_278 : i32 to vector<16xi32>
        %lt3A_280 = arith.cmpi slt, %sub3A_275, %lt3A_279 : vector<16xi32>
        %and3A_281 = arith.andi %ge3A_277, %lt3A_280 : vector<16xi1>
        %jit3A_282 = arith.constant 0 : i32
        %broadcast_in_dim3A_283 = vector.broadcast %jit3A_282 : i32 to vector<16xi32>
        %select_n3A_284 = arith.select %and3A_281, %sub3A_275, %broadcast_in_dim3A_283 : vector<16xi1>, vector<16xi32>
        %broadcast_in_dim3A_285 = arith.constant 0.000000e+00 : f32
        %broadcast_in_dim3A_286 = vector.broadcast %broadcast_in_dim3A_285 : f32 to vector<16xf32>
        tpu.vector_store_idx %arg11[%select_n3A_284, %get3A_271], %broadcast_in_dim3A_286 masked %and3A_281 : memref<448x128xf32, #tpu.memory_space<vmem>>[vector<16xi32>, vector<16xi32>], vector<16xf32>, vector<16xi1>
        %sub3A_287 = vector.broadcast %mul3A_209 : i32 to vector<16xi32>
        %sub3A_288 = arith.subi %get3A_269, %sub3A_287 : vector<16xi32>
        %ge3A_289 = arith.constant 0 : i32
        %ge3A_290 = vector.broadcast %ge3A_289 : i32 to vector<16xi32>
        %ge3A_291 = arith.cmpi sge, %sub3A_288, %ge3A_290 : vector<16xi32>
        %lt3A_292 = arith.constant 448 : i32
        %lt3A_293 = vector.broadcast %lt3A_292 : i32 to vector<16xi32>
        %lt3A_294 = arith.cmpi slt, %sub3A_288, %lt3A_293 : vector<16xi32>
        %and3A_295 = arith.andi %ge3A_291, %lt3A_294 : vector<16xi1>
        %jit3A_296 = arith.constant 0 : i32
        %broadcast_in_dim3A_297 = vector.broadcast %jit3A_296 : i32 to vector<16xi32>
        %select_n3A_298 = arith.select %and3A_295, %sub3A_288, %broadcast_in_dim3A_297 : vector<16xi1>, vector<16xi32>
        tpu.vector_store_idx %arg11[%select_n3A_298, %get3A_271], %get3A_273 masked %and3A_295 : memref<448x128xf32, #tpu.memory_space<vmem>>[vector<16xi32>, vector<16xi32>], vector<16xf32>, vector<16xi1>
        %while3A_299 = arith.constant 0 : i32
        scf.yield %while3A_299 : i32
      }
      %mul3A_222 = arith.constant 448 : i32
      %mul3A_223 = arith.muli %add3A_195, %mul3A_222 : i32
      %add3A_224 = arith.addi %mul3A_50, %mul3A_223 : i32
      %multiple_of3A_225 = tpu.assume_multiple %add3A_224, 8 : i32
      %dma_start3A_226 = tpu.memref_slice %arg5[%multiple_of3A_225, %multiple_of3A] : memref<100000x1024xf32, #tpu.memory_space<hbm>> -> memref<448x128xf32, #tpu.memory_space<hbm>>
      %dma_start3A_227 = tpu.memref_slice %arg5[%multiple_of3A_225, %multiple_of3A] : memref<100000x1024xf32, #tpu.memory_space<hbm>> -> memref<448x128xf32, #tpu.memory_space<hbm>>
      tpu.enqueue_dma source(%arg11 : memref<448x128xf32, #tpu.memory_space<vmem>>) target(%dma_start3A_227 : memref<448x128xf32, #tpu.memory_space<hbm>>) target_semaphore(%arg13 : memref<!tpu.dma_semaphore, #tpu.memory_space<semaphore_mem>>)
      %mul3A_228 = arith.constant 2 : i32
      %mul3A_229 = arith.muli %mul3A_228, %scan3A_190 : i32
      %add3A_230 = arith.constant 1 : i32
      %add3A_231 = arith.addi %mul3A_229, %add3A_230 : i32
      %sub3A_232 = arith.constant 2 : i32
      %sub3A_233 = arith.subi %add3A_231, %sub3A_232 : i32
      %mul3A_234 = arith.constant 448 : i32
      %mul3A_235 = arith.muli %sub3A_233, %mul3A_234 : i32
      %add3A_236 = arith.addi %mul3A_50, %mul3A_235 : i32
      %multiple_of3A_237 = tpu.assume_multiple %add3A_236, 8 : i32
      %dma_wait3A_238 = tpu.memref_slice %arg5[%multiple_of3A_237, %multiple_of3A] : memref<100000x1024xf32, #tpu.memory_space<hbm>> -> memref<448x128xf32, #tpu.memory_space<hbm>>
      %dma_wait3A_239 = tpu.memref_slice %arg5[%multiple_of3A_237, %multiple_of3A] : memref<100000x1024xf32, #tpu.memory_space<hbm>> -> memref<448x128xf32, #tpu.memory_space<hbm>>
      tpu.wait_dma2 semaphore(%arg14 : memref<!tpu.dma_semaphore, #tpu.memory_space<semaphore_mem>>) src(%arg12 : memref<448x128xf32, #tpu.memory_space<vmem>>) dst(%dma_wait3A_239 : memref<448x128xf32, #tpu.memory_space<hbm>>)
      %sub3A_240 = arith.constant 2 : i32
      %sub3A_241 = arith.subi %add3A_231, %sub3A_240 : i32
      %mul3A_242 = arith.constant 448 : i32
      %mul3A_243 = arith.muli %sub3A_241, %mul3A_242 : i32
      %mul3A_244 = arith.constant 448 : i32
      %mul3A_245 = arith.muli %add3A_231, %mul3A_244 : i32
      %while3A_246 = arith.constant 0 : i32
      %while3A_247 = arith.constant 0 : i32
      %while3A_248 = arith.subi %select_n3A_86, %while3A_246 : i32
      %while3A_249 = arith.addi %while3A_246, %while3A_248 : i32
      %while3A_250 = arith.constant 1 : i32
      %while3A_251 = arith.divsi %while3A_248, %while3A_250 : i32
      %while3A_252 = arith.muli %while3A_251, %while3A_250 : i32
      %while3A_253 = arith.addi %while3A_246, %while3A_252 : i32
      %while3A_254 = arith.constant 1 : i32
      %while3A_255 = scf.for %while3A_265 = %while3A_246 to %while3A_253 step %while3A_254 iter_args(%while3A_266 = %while3A_247) -> (i32)  : i32 {
        %mul3A_267 = arith.constant 16 : i32
        %mul3A_268 = arith.muli %while3A_265, %mul3A_267 : i32
        %get3A = arith.index_cast %mul3A_268 : i32 to index
        %get3A_269 = tpu.vector_load %arg8[%get3A] {strides = array<i32>} : memref<2576xi32, #tpu.memory_space<vmem>>, vector<16xi32>,
        %get3A_270 = arith.index_cast %mul3A_268 : i32 to index
        %get3A_271 = tpu.vector_load %arg9[%get3A_270] {strides = array<i32>} : memref<2576xi32, #tpu.memory_space<vmem>>, vector<16xi32>,
        %get3A_272 = arith.index_cast %mul3A_268 : i32 to index
        %get3A_273 = tpu.vector_load %arg10[%get3A_272] {strides = array<i32>} : memref<2576xf32, #tpu.memory_space<vmem>>, vector<16xf32>,
        %sub3A_274 = vector.broadcast %mul3A_243 : i32 to vector<16xi32>
        %sub3A_275 = arith.subi %get3A_269, %sub3A_274 : vector<16xi32>
        %ge3A = arith.constant 0 : i32
        %ge3A_276 = vector.broadcast %ge3A : i32 to vector<16xi32>
        %ge3A_277 = arith.cmpi sge, %sub3A_275, %ge3A_276 : vector<16xi32>
        %lt3A_278 = arith.constant 448 : i32
        %lt3A_279 = vector.broadcast %lt3A_278 : i32 to vector<16xi32>
        %lt3A_280 = arith.cmpi slt, %sub3A_275, %lt3A_279 : vector<16xi32>
        %and3A_281 = arith.andi %ge3A_277, %lt3A_280 : vector<16xi1>
        %jit3A_282 = arith.constant 0 : i32
        %broadcast_in_dim3A_283 = vector.broadcast %jit3A_282 : i32 to vector<16xi32>
        %select_n3A_284 = arith.select %and3A_281, %sub3A_275, %broadcast_in_dim3A_283 : vector<16xi1>, vector<16xi32>
        %broadcast_in_dim3A_285 = arith.constant 0.000000e+00 : f32
        %broadcast_in_dim3A_286 = vector.broadcast %broadcast_in_dim3A_285 : f32 to vector<16xf32>
        tpu.vector_store_idx %arg12[%select_n3A_284, %get3A_271], %broadcast_in_dim3A_286 masked %and3A_281 : memref<448x128xf32, #tpu.memory_space<vmem>>[vector<16xi32>, vector<16xi32>], vector<16xf32>, vector<16xi1>
        %sub3A_287 = vector.broadcast %mul3A_245 : i32 to vector<16xi32>
        %sub3A_288 = arith.subi %get3A_269, %sub3A_287 : vector<16xi32>
        %ge3A_289 = arith.constant 0 : i32
        %ge3A_290 = vector.broadcast %ge3A_289 : i32 to vector<16xi32>
        %ge3A_291 = arith.cmpi sge, %sub3A_288, %ge3A_290 : vector<16xi32>
        %lt3A_292 = arith.constant 448 : i32
        %lt3A_293 = vector.broadcast %lt3A_292 : i32 to vector<16xi32>
        %lt3A_294 = arith.cmpi slt, %sub3A_288, %lt3A_293 : vector<16xi32>
        %and3A_295 = arith.andi %ge3A_291, %lt3A_294 : vector<16xi1>
        %jit3A_296 = arith.constant 0 : i32
        %broadcast_in_dim3A_297 = vector.broadcast %jit3A_296 : i32 to vector<16xi32>
        %select_n3A_298 = arith.select %and3A_295, %sub3A_288, %broadcast_in_dim3A_297 : vector<16xi1>, vector<16xi32>
        tpu.vector_store_idx %arg12[%select_n3A_298, %get3A_271], %get3A_273 masked %and3A_295 : memref<448x128xf32, #tpu.memory_space<vmem>>[vector<16xi32>, vector<16xi32>], vector<16xf32>, vector<16xi1>
        %while3A_299 = arith.constant 0 : i32
        scf.yield %while3A_299 : i32
      }
      %while3A_256 = arith.constant 1 : i32
      %while3A_257 = scf.for %while3A_265 = %while3A_253 to %while3A_249 step %while3A_256 iter_args(%while3A_266 = %while3A_255) -> (i32)  : i32 {
        %mul3A_267 = arith.constant 16 : i32
        %mul3A_268 = arith.muli %while3A_265, %mul3A_267 : i32
        %get3A = arith.index_cast %mul3A_268 : i32 to index
        %get3A_269 = tpu.vector_load %arg8[%get3A] {strides = array<i32>} : memref<2576xi32, #tpu.memory_space<vmem>>, vector<16xi32>,
        %get3A_270 = arith.index_cast %mul3A_268 : i32 to index
        %get3A_271 = tpu.vector_load %arg9[%get3A_270] {strides = array<i32>} : memref<2576xi32, #tpu.memory_space<vmem>>, vector<16xi32>,
        %get3A_272 = arith.index_cast %mul3A_268 : i32 to index
        %get3A_273 = tpu.vector_load %arg10[%get3A_272] {strides = array<i32>} : memref<2576xf32, #tpu.memory_space<vmem>>, vector<16xf32>,
        %sub3A_274 = vector.broadcast %mul3A_243 : i32 to vector<16xi32>
        %sub3A_275 = arith.subi %get3A_269, %sub3A_274 : vector<16xi32>
        %ge3A = arith.constant 0 : i32
        %ge3A_276 = vector.broadcast %ge3A : i32 to vector<16xi32>
        %ge3A_277 = arith.cmpi sge, %sub3A_275, %ge3A_276 : vector<16xi32>
        %lt3A_278 = arith.constant 448 : i32
        %lt3A_279 = vector.broadcast %lt3A_278 : i32 to vector<16xi32>
        %lt3A_280 = arith.cmpi slt, %sub3A_275, %lt3A_279 : vector<16xi32>
        %and3A_281 = arith.andi %ge3A_277, %lt3A_280 : vector<16xi1>
        %jit3A_282 = arith.constant 0 : i32
        %broadcast_in_dim3A_283 = vector.broadcast %jit3A_282 : i32 to vector<16xi32>
        %select_n3A_284 = arith.select %and3A_281, %sub3A_275, %broadcast_in_dim3A_283 : vector<16xi1>, vector<16xi32>
        %broadcast_in_dim3A_285 = arith.constant 0.000000e+00 : f32
        %broadcast_in_dim3A_286 = vector.broadcast %broadcast_in_dim3A_285 : f32 to vector<16xf32>
        tpu.vector_store_idx %arg12[%select_n3A_284, %get3A_271], %broadcast_in_dim3A_286 masked %and3A_281 : memref<448x128xf32, #tpu.memory_space<vmem>>[vector<16xi32>, vector<16xi32>], vector<16xf32>, vector<16xi1>
        %sub3A_287 = vector.broadcast %mul3A_245 : i32 to vector<16xi32>
        %sub3A_288 = arith.subi %get3A_269, %sub3A_287 : vector<16xi32>
        %ge3A_289 = arith.constant 0 : i32
        %ge3A_290 = vector.broadcast %ge3A_289 : i32 to vector<16xi32>
        %ge3A_291 = arith.cmpi sge, %sub3A_288, %ge3A_290 : vector<16xi32>
        %lt3A_292 = arith.constant 448 : i32
        %lt3A_293 = vector.broadcast %lt3A_292 : i32 to vector<16xi32>
        %lt3A_294 = arith.cmpi slt, %sub3A_288, %lt3A_293 : vector<16xi32>
        %and3A_295 = arith.andi %ge3A_291, %lt3A_294 : vector<16xi1>
        %jit3A_296 = arith.constant 0 : i32
        %broadcast_in_dim3A_297 = vector.broadcast %jit3A_296 : i32 to vector<16xi32>
        %select_n3A_298 = arith.select %and3A_295, %sub3A_288, %broadcast_in_dim3A_297 : vector<16xi1>, vector<16xi32>
        tpu.vector_store_idx %arg12[%select_n3A_298, %get3A_271], %get3A_273 masked %and3A_295 : memref<448x128xf32, #tpu.memory_space<vmem>>[vector<16xi32>, vector<16xi32>], vector<16xf32>, vector<16xi1>
        %while3A_299 = arith.constant 0 : i32
        scf.yield %while3A_299 : i32
      }
      %mul3A_258 = arith.constant 448 : i32
      %mul3A_259 = arith.muli %add3A_231, %mul3A_258 : i32
      %add3A_260 = arith.addi %mul3A_50, %mul3A_259 : i32
      %multiple_of3A_261 = tpu.assume_multiple %add3A_260, 8 : i32
      %dma_start3A_262 = tpu.memref_slice %arg5[%multiple_of3A_261, %multiple_of3A] : memref<100000x1024xf32, #tpu.memory_space<hbm>> -> memref<448x128xf32, #tpu.memory_space<hbm>>
      %dma_start3A_263 = tpu.memref_slice %arg5[%multiple_of3A_261, %multiple_of3A] : memref<100000x1024xf32, #tpu.memory_space<hbm>> -> memref<448x128xf32, #tpu.memory_space<hbm>>
      tpu.enqueue_dma source(%arg12 : memref<448x128xf32, #tpu.memory_space<vmem>>) target(%dma_start3A_263 : memref<448x128xf32, #tpu.memory_space<hbm>>) target_semaphore(%arg14 : memref<!tpu.dma_semaphore, #tpu.memory_space<semaphore_mem>>)
      %scan3A_264 = arith.constant 0 : i32
      scf.yield %scan3A_264 : i32
    }
    %scan3A_126 = arith.constant 26 : i32
    %add3A_127 = arith.constant 23296 : i32
    %add3A_128 = arith.addi %mul3A_50, %add3A_127 : i32
    %multiple_of3A_129 = tpu.assume_multiple %add3A_128, 8 : i32
    %dma_wait3A_130 = tpu.memref_slice %arg5[%multiple_of3A_129, %multiple_of3A] : memref<100000x1024xf32, #tpu.memory_space<hbm>> -> memref<448x128xf32, #tpu.memory_space<hbm>>
    %dma_wait3A_131 = tpu.memref_slice %arg5[%multiple_of3A_129, %multiple_of3A] : memref<100000x1024xf32, #tpu.memory_space<hbm>> -> memref<448x128xf32, #tpu.memory_space<hbm>>
    tpu.wait_dma2 semaphore(%arg13 : memref<!tpu.dma_semaphore, #tpu.memory_space<semaphore_mem>>) src(%arg11 : memref<448x128xf32, #tpu.memory_space<vmem>>) dst(%dma_wait3A_131 : memref<448x128xf32, #tpu.memory_space<hbm>>)
    %while3A_132 = arith.constant 0 : i32
    %while3A_133 = arith.constant 0 : i32
    %while3A_134 = arith.subi %select_n3A_86, %while3A_132 : i32
    %while3A_135 = arith.addi %while3A_132, %while3A_134 : i32
    %while3A_136 = arith.constant 1 : i32
    %while3A_137 = arith.divsi %while3A_134, %while3A_136 : i32
    %while3A_138 = arith.muli %while3A_137, %while3A_136 : i32
    %while3A_139 = arith.addi %while3A_132, %while3A_138 : i32
    %while3A_140 = arith.constant 1 : i32
    %while3A_141 = scf.for %while3A_190 = %while3A_132 to %while3A_139 step %while3A_140 iter_args(%while3A_191 = %while3A_133) -> (i32)  : i32 {
      %mul3A_192 = arith.constant 16 : i32
      %mul3A_193 = arith.muli %while3A_190, %mul3A_192 : i32
      %get3A = arith.index_cast %mul3A_193 : i32 to index
      %get3A_194 = tpu.vector_load %arg8[%get3A] {strides = array<i32>} : memref<2576xi32, #tpu.memory_space<vmem>>, vector<16xi32>,
      %get3A_195 = arith.index_cast %mul3A_193 : i32 to index
      %get3A_196 = tpu.vector_load %arg9[%get3A_195] {strides = array<i32>} : memref<2576xi32, #tpu.memory_space<vmem>>, vector<16xi32>,
      %get3A_197 = arith.index_cast %mul3A_193 : i32 to index
      %get3A_198 = tpu.vector_load %arg10[%get3A_197] {strides = array<i32>} : memref<2576xf32, #tpu.memory_space<vmem>>, vector<16xf32>,
      %sub3A_199 = arith.constant 23296 : i32
      %sub3A_200 = vector.broadcast %sub3A_199 : i32 to vector<16xi32>
      %sub3A_201 = arith.subi %get3A_194, %sub3A_200 : vector<16xi32>
      %ge3A = arith.constant 0 : i32
      %ge3A_202 = vector.broadcast %ge3A : i32 to vector<16xi32>
      %ge3A_203 = arith.cmpi sge, %sub3A_201, %ge3A_202 : vector<16xi32>
      %lt3A_204 = arith.constant 448 : i32
      %lt3A_205 = vector.broadcast %lt3A_204 : i32 to vector<16xi32>
      %lt3A_206 = arith.cmpi slt, %sub3A_201, %lt3A_205 : vector<16xi32>
      %and3A_207 = arith.andi %ge3A_203, %lt3A_206 : vector<16xi1>
      %jit3A_208 = arith.constant 0 : i32
      %broadcast_in_dim3A_209 = vector.broadcast %jit3A_208 : i32 to vector<16xi32>
      %select_n3A_210 = arith.select %and3A_207, %sub3A_201, %broadcast_in_dim3A_209 : vector<16xi1>, vector<16xi32>
      %broadcast_in_dim3A_211 = arith.constant 0.000000e+00 : f32
      %broadcast_in_dim3A_212 = vector.broadcast %broadcast_in_dim3A_211 : f32 to vector<16xf32>
      tpu.vector_store_idx %arg11[%select_n3A_210, %get3A_196], %broadcast_in_dim3A_212 masked %and3A_207 : memref<448x128xf32, #tpu.memory_space<vmem>>[vector<16xi32>, vector<16xi32>], vector<16xf32>, vector<16xi1>
      %sub3A_213 = arith.constant 24192 : i32
      %sub3A_214 = vector.broadcast %sub3A_213 : i32 to vector<16xi32>
      %sub3A_215 = arith.subi %get3A_194, %sub3A_214 : vector<16xi32>
      %ge3A_216 = arith.constant 0 : i32
      %ge3A_217 = vector.broadcast %ge3A_216 : i32 to vector<16xi32>
      %ge3A_218 = arith.cmpi sge, %sub3A_215, %ge3A_217 : vector<16xi32>
      %lt3A_219 = arith.constant 448 : i32
      %lt3A_220 = vector.broadcast %lt3A_219 : i32 to vector<16xi32>
      %lt3A_221 = arith.cmpi slt, %sub3A_215, %lt3A_220 : vector<16xi32>
      %and3A_222 = arith.andi %ge3A_218, %lt3A_221 : vector<16xi1>
      %jit3A_223 = arith.constant 0 : i32
      %broadcast_in_dim3A_224 = vector.broadcast %jit3A_223 : i32 to vector<16xi32>
      %select_n3A_225 = arith.select %and3A_222, %sub3A_215, %broadcast_in_dim3A_224 : vector<16xi1>, vector<16xi32>
      tpu.vector_store_idx %arg11[%select_n3A_225, %get3A_196], %get3A_198 masked %and3A_222 : memref<448x128xf32, #tpu.memory_space<vmem>>[vector<16xi32>, vector<16xi32>], vector<16xf32>, vector<16xi1>
      %while3A_226 = arith.constant 0 : i32
      scf.yield %while3A_226 : i32
    }
    %while3A_142 = arith.constant 1 : i32
    %while3A_143 = scf.for %while3A_190 = %while3A_139 to %while3A_135 step %while3A_142 iter_args(%while3A_191 = %while3A_141) -> (i32)  : i32 {
      %mul3A_192 = arith.constant 16 : i32
      %mul3A_193 = arith.muli %while3A_190, %mul3A_192 : i32
      %get3A = arith.index_cast %mul3A_193 : i32 to index
      %get3A_194 = tpu.vector_load %arg8[%get3A] {strides = array<i32>} : memref<2576xi32, #tpu.memory_space<vmem>>, vector<16xi32>,
      %get3A_195 = arith.index_cast %mul3A_193 : i32 to index
      %get3A_196 = tpu.vector_load %arg9[%get3A_195] {strides = array<i32>} : memref<2576xi32, #tpu.memory_space<vmem>>, vector<16xi32>,
      %get3A_197 = arith.index_cast %mul3A_193 : i32 to index
      %get3A_198 = tpu.vector_load %arg10[%get3A_197] {strides = array<i32>} : memref<2576xf32, #tpu.memory_space<vmem>>, vector<16xf32>,
      %sub3A_199 = arith.constant 23296 : i32
      %sub3A_200 = vector.broadcast %sub3A_199 : i32 to vector<16xi32>
      %sub3A_201 = arith.subi %get3A_194, %sub3A_200 : vector<16xi32>
      %ge3A = arith.constant 0 : i32
      %ge3A_202 = vector.broadcast %ge3A : i32 to vector<16xi32>
      %ge3A_203 = arith.cmpi sge, %sub3A_201, %ge3A_202 : vector<16xi32>
      %lt3A_204 = arith.constant 448 : i32
      %lt3A_205 = vector.broadcast %lt3A_204 : i32 to vector<16xi32>
      %lt3A_206 = arith.cmpi slt, %sub3A_201, %lt3A_205 : vector<16xi32>
      %and3A_207 = arith.andi %ge3A_203, %lt3A_206 : vector<16xi1>
      %jit3A_208 = arith.constant 0 : i32
      %broadcast_in_dim3A_209 = vector.broadcast %jit3A_208 : i32 to vector<16xi32>
      %select_n3A_210 = arith.select %and3A_207, %sub3A_201, %broadcast_in_dim3A_209 : vector<16xi1>, vector<16xi32>
      %broadcast_in_dim3A_211 = arith.constant 0.000000e+00 : f32
      %broadcast_in_dim3A_212 = vector.broadcast %broadcast_in_dim3A_211 : f32 to vector<16xf32>
      tpu.vector_store_idx %arg11[%select_n3A_210, %get3A_196], %broadcast_in_dim3A_212 masked %and3A_207 : memref<448x128xf32, #tpu.memory_space<vmem>>[vector<16xi32>, vector<16xi32>], vector<16xf32>, vector<16xi1>
      %sub3A_213 = arith.constant 24192 : i32
      %sub3A_214 = vector.broadcast %sub3A_213 : i32 to vector<16xi32>
      %sub3A_215 = arith.subi %get3A_194, %sub3A_214 : vector<16xi32>
      %ge3A_216 = arith.constant 0 : i32
      %ge3A_217 = vector.broadcast %ge3A_216 : i32 to vector<16xi32>
      %ge3A_218 = arith.cmpi sge, %sub3A_215, %ge3A_217 : vector<16xi32>
      %lt3A_219 = arith.constant 448 : i32
      %lt3A_220 = vector.broadcast %lt3A_219 : i32 to vector<16xi32>
      %lt3A_221 = arith.cmpi slt, %sub3A_215, %lt3A_220 : vector<16xi32>
      %and3A_222 = arith.andi %ge3A_218, %lt3A_221 : vector<16xi1>
      %jit3A_223 = arith.constant 0 : i32
      %broadcast_in_dim3A_224 = vector.broadcast %jit3A_223 : i32 to vector<16xi32>
      %select_n3A_225 = arith.select %and3A_222, %sub3A_215, %broadcast_in_dim3A_224 : vector<16xi1>, vector<16xi32>
      tpu.vector_store_idx %arg11[%select_n3A_225, %get3A_196], %get3A_198 masked %and3A_222 : memref<448x128xf32, #tpu.memory_space<vmem>>[vector<16xi32>, vector<16xi32>], vector<16xf32>, vector<16xi1>
      %while3A_226 = arith.constant 0 : i32
      scf.yield %while3A_226 : i32
    }
    %add3A_144 = arith.constant 24192 : i32
    %add3A_145 = arith.addi %mul3A_50, %add3A_144 : i32
    %multiple_of3A_146 = tpu.assume_multiple %add3A_145, 8 : i32
    %dma_start3A_147 = tpu.memref_slice %arg5[%multiple_of3A_146, %multiple_of3A] : memref<100000x1024xf32, #tpu.memory_space<hbm>> -> memref<448x128xf32, #tpu.memory_space<hbm>>
    %dma_start3A_148 = tpu.memref_slice %arg5[%multiple_of3A_146, %multiple_of3A] : memref<100000x1024xf32, #tpu.memory_space<hbm>> -> memref<448x128xf32, #tpu.memory_space<hbm>>
    tpu.enqueue_dma source(%arg11 : memref<448x128xf32, #tpu.memory_space<vmem>>) target(%dma_start3A_148 : memref<448x128xf32, #tpu.memory_space<hbm>>) target_semaphore(%arg13 : memref<!tpu.dma_semaphore, #tpu.memory_space<semaphore_mem>>)
    %add3A_149 = arith.constant 23744 : i32
    %add3A_150 = arith.addi %mul3A_50, %add3A_149 : i32
    %multiple_of3A_151 = tpu.assume_multiple %add3A_150, 8 : i32
    %dma_wait3A_152 = tpu.memref_slice %arg5[%multiple_of3A_151, %multiple_of3A] : memref<100000x1024xf32, #tpu.memory_space<hbm>> -> memref<448x128xf32, #tpu.memory_space<hbm>>
    %dma_wait3A_153 = tpu.memref_slice %arg5[%multiple_of3A_151, %multiple_of3A] : memref<100000x1024xf32, #tpu.memory_space<hbm>> -> memref<448x128xf32, #tpu.memory_space<hbm>>
    tpu.wait_dma2 semaphore(%arg14 : memref<!tpu.dma_semaphore, #tpu.memory_space<semaphore_mem>>) src(%arg12 : memref<448x128xf32, #tpu.memory_space<vmem>>) dst(%dma_wait3A_153 : memref<448x128xf32, #tpu.memory_space<hbm>>)
    %while3A_154 = arith.constant 0 : i32
    %while3A_155 = arith.constant 0 : i32
    %while3A_156 = arith.subi %select_n3A_86, %while3A_154 : i32
    %while3A_157 = arith.addi %while3A_154, %while3A_156 : i32
    %while3A_158 = arith.constant 1 : i32
    %while3A_159 = arith.divsi %while3A_156, %while3A_158 : i32
    %while3A_160 = arith.muli %while3A_159, %while3A_158 : i32
    %while3A_161 = arith.addi %while3A_154, %while3A_160 : i32
    %while3A_162 = arith.constant 1 : i32
    %while3A_163 = scf.for %while3A_190 = %while3A_154 to %while3A_161 step %while3A_162 iter_args(%while3A_191 = %while3A_155) -> (i32)  : i32 {
      %mul3A_192 = arith.constant 16 : i32
      %mul3A_193 = arith.muli %while3A_190, %mul3A_192 : i32
      %get3A = arith.index_cast %mul3A_193 : i32 to index
      %get3A_194 = tpu.vector_load %arg8[%get3A] {strides = array<i32>} : memref<2576xi32, #tpu.memory_space<vmem>>, vector<16xi32>,
      %get3A_195 = arith.index_cast %mul3A_193 : i32 to index
      %get3A_196 = tpu.vector_load %arg9[%get3A_195] {strides = array<i32>} : memref<2576xi32, #tpu.memory_space<vmem>>, vector<16xi32>,
      %get3A_197 = arith.index_cast %mul3A_193 : i32 to index
      %get3A_198 = tpu.vector_load %arg10[%get3A_197] {strides = array<i32>} : memref<2576xf32, #tpu.memory_space<vmem>>, vector<16xf32>,
      %sub3A_199 = arith.constant 23744 : i32
      %sub3A_200 = vector.broadcast %sub3A_199 : i32 to vector<16xi32>
      %sub3A_201 = arith.subi %get3A_194, %sub3A_200 : vector<16xi32>
      %ge3A = arith.constant 0 : i32
      %ge3A_202 = vector.broadcast %ge3A : i32 to vector<16xi32>
      %ge3A_203 = arith.cmpi sge, %sub3A_201, %ge3A_202 : vector<16xi32>
      %lt3A_204 = arith.constant 448 : i32
      %lt3A_205 = vector.broadcast %lt3A_204 : i32 to vector<16xi32>
      %lt3A_206 = arith.cmpi slt, %sub3A_201, %lt3A_205 : vector<16xi32>
      %and3A_207 = arith.andi %ge3A_203, %lt3A_206 : vector<16xi1>
      %jit3A_208 = arith.constant 0 : i32
      %broadcast_in_dim3A_209 = vector.broadcast %jit3A_208 : i32 to vector<16xi32>
      %select_n3A_210 = arith.select %and3A_207, %sub3A_201, %broadcast_in_dim3A_209 : vector<16xi1>, vector<16xi32>
      %broadcast_in_dim3A_211 = arith.constant 0.000000e+00 : f32
      %broadcast_in_dim3A_212 = vector.broadcast %broadcast_in_dim3A_211 : f32 to vector<16xf32>
      tpu.vector_store_idx %arg12[%select_n3A_210, %get3A_196], %broadcast_in_dim3A_212 masked %and3A_207 : memref<448x128xf32, #tpu.memory_space<vmem>>[vector<16xi32>, vector<16xi32>], vector<16xf32>, vector<16xi1>
      %sub3A_213 = arith.constant 24640 : i32
      %sub3A_214 = vector.broadcast %sub3A_213 : i32 to vector<16xi32>
      %sub3A_215 = arith.subi %get3A_194, %sub3A_214 : vector<16xi32>
      %ge3A_216 = arith.constant 0 : i32
      %ge3A_217 = vector.broadcast %ge3A_216 : i32 to vector<16xi32>
      %ge3A_218 = arith.cmpi sge, %sub3A_215, %ge3A_217 : vector<16xi32>
      %lt3A_219 = arith.constant 360 : i32
      %lt3A_220 = vector.broadcast %lt3A_219 : i32 to vector<16xi32>
      %lt3A_221 = arith.cmpi slt, %sub3A_215, %lt3A_220 : vector<16xi32>
      %and3A_222 = arith.andi %ge3A_218, %lt3A_221 : vector<16xi1>
      %jit3A_223 = arith.constant 0 : i32
      %broadcast_in_dim3A_224 = vector.broadcast %jit3A_223 : i32 to vector<16xi32>
      %select_n3A_225 = arith.select %and3A_222, %sub3A_215, %broadcast_in_dim3A_224 : vector<16xi1>, vector<16xi32>
      tpu.vector_store_idx %arg12[%select_n3A_225, %get3A_196], %get3A_198 masked %and3A_222 : memref<448x128xf32, #tpu.memory_space<vmem>>[vector<16xi32>, vector<16xi32>], vector<16xf32>, vector<16xi1>
      %while3A_226 = arith.constant 0 : i32
      scf.yield %while3A_226 : i32
    }
    %while3A_164 = arith.constant 1 : i32
    %while3A_165 = scf.for %while3A_190 = %while3A_161 to %while3A_157 step %while3A_164 iter_args(%while3A_191 = %while3A_163) -> (i32)  : i32 {
      %mul3A_192 = arith.constant 16 : i32
      %mul3A_193 = arith.muli %while3A_190, %mul3A_192 : i32
      %get3A = arith.index_cast %mul3A_193 : i32 to index
      %get3A_194 = tpu.vector_load %arg8[%get3A] {strides = array<i32>} : memref<2576xi32, #tpu.memory_space<vmem>>, vector<16xi32>,
      %get3A_195 = arith.index_cast %mul3A_193 : i32 to index
      %get3A_196 = tpu.vector_load %arg9[%get3A_195] {strides = array<i32>} : memref<2576xi32, #tpu.memory_space<vmem>>, vector<16xi32>,
      %get3A_197 = arith.index_cast %mul3A_193 : i32 to index
      %get3A_198 = tpu.vector_load %arg10[%get3A_197] {strides = array<i32>} : memref<2576xf32, #tpu.memory_space<vmem>>, vector<16xf32>,
      %sub3A_199 = arith.constant 23744 : i32
      %sub3A_200 = vector.broadcast %sub3A_199 : i32 to vector<16xi32>
      %sub3A_201 = arith.subi %get3A_194, %sub3A_200 : vector<16xi32>
      %ge3A = arith.constant 0 : i32
      %ge3A_202 = vector.broadcast %ge3A : i32 to vector<16xi32>
      %ge3A_203 = arith.cmpi sge, %sub3A_201, %ge3A_202 : vector<16xi32>
      %lt3A_204 = arith.constant 448 : i32
      %lt3A_205 = vector.broadcast %lt3A_204 : i32 to vector<16xi32>
      %lt3A_206 = arith.cmpi slt, %sub3A_201, %lt3A_205 : vector<16xi32>
      %and3A_207 = arith.andi %ge3A_203, %lt3A_206 : vector<16xi1>
      %jit3A_208 = arith.constant 0 : i32
      %broadcast_in_dim3A_209 = vector.broadcast %jit3A_208 : i32 to vector<16xi32>
      %select_n3A_210 = arith.select %and3A_207, %sub3A_201, %broadcast_in_dim3A_209 : vector<16xi1>, vector<16xi32>
      %broadcast_in_dim3A_211 = arith.constant 0.000000e+00 : f32
      %broadcast_in_dim3A_212 = vector.broadcast %broadcast_in_dim3A_211 : f32 to vector<16xf32>
      tpu.vector_store_idx %arg12[%select_n3A_210, %get3A_196], %broadcast_in_dim3A_212 masked %and3A_207 : memref<448x128xf32, #tpu.memory_space<vmem>>[vector<16xi32>, vector<16xi32>], vector<16xf32>, vector<16xi1>
      %sub3A_213 = arith.constant 24640 : i32
      %sub3A_214 = vector.broadcast %sub3A_213 : i32 to vector<16xi32>
      %sub3A_215 = arith.subi %get3A_194, %sub3A_214 : vector<16xi32>
      %ge3A_216 = arith.constant 0 : i32
      %ge3A_217 = vector.broadcast %ge3A_216 : i32 to vector<16xi32>
      %ge3A_218 = arith.cmpi sge, %sub3A_215, %ge3A_217 : vector<16xi32>
      %lt3A_219 = arith.constant 360 : i32
      %lt3A_220 = vector.broadcast %lt3A_219 : i32 to vector<16xi32>
      %lt3A_221 = arith.cmpi slt, %sub3A_215, %lt3A_220 : vector<16xi32>
      %and3A_222 = arith.andi %ge3A_218, %lt3A_221 : vector<16xi1>
      %jit3A_223 = arith.constant 0 : i32
      %broadcast_in_dim3A_224 = vector.broadcast %jit3A_223 : i32 to vector<16xi32>
      %select_n3A_225 = arith.select %and3A_222, %sub3A_215, %broadcast_in_dim3A_224 : vector<16xi1>, vector<16xi32>
      tpu.vector_store_idx %arg12[%select_n3A_225, %get3A_196], %get3A_198 masked %and3A_222 : memref<448x128xf32, #tpu.memory_space<vmem>>[vector<16xi32>, vector<16xi32>], vector<16xf32>, vector<16xi1>
      %while3A_226 = arith.constant 0 : i32
      scf.yield %while3A_226 : i32
    }
    %add3A_166 = arith.constant 24640 : i32
    %add3A_167 = arith.addi %mul3A_50, %add3A_166 : i32
    %multiple_of3A_168 = tpu.assume_multiple %add3A_167, 8 : i32
    %dma_start3A_169 = arith.constant 0 : i32
    %dma_start3A_170 = arith.constant 0 : i32
    %dma_start3A_171 = tpu.memref_slice %arg12[%dma_start3A_169, %dma_start3A_170] : memref<448x128xf32, #tpu.memory_space<vmem>> -> memref<360x128xf32, #tpu.memory_space<vmem>>
    %dma_start3A_172 = tpu.memref_slice %arg5[%multiple_of3A_168, %multiple_of3A] : memref<100000x1024xf32, #tpu.memory_space<hbm>> -> memref<360x128xf32, #tpu.memory_space<hbm>>
    %dma_start3A_173 = tpu.memref_slice %arg5[%multiple_of3A_168, %multiple_of3A] : memref<100000x1024xf32, #tpu.memory_space<hbm>> -> memref<360x128xf32, #tpu.memory_space<hbm>>
    %dma_start3A_174 = arith.constant 0 : i32
    %dma_start3A_175 = arith.constant 0 : i32
    %dma_start3A_176 = tpu.memref_slice %arg12[%dma_start3A_174, %dma_start3A_175] : memref<448x128xf32, #tpu.memory_space<vmem>> -> memref<360x128xf32, #tpu.memory_space<vmem>>
    tpu.enqueue_dma source(%dma_start3A_176 : memref<360x128xf32, #tpu.memory_space<vmem>>) target(%dma_start3A_173 : memref<360x128xf32, #tpu.memory_space<hbm>>) target_semaphore(%arg14 : memref<!tpu.dma_semaphore, #tpu.memory_space<semaphore_mem>>)
    %add3A_177 = arith.constant 24192 : i32
    %add3A_178 = arith.addi %mul3A_50, %add3A_177 : i32
    %multiple_of3A_179 = tpu.assume_multiple %add3A_178, 8 : i32
    %dma_wait3A_180 = tpu.memref_slice %arg5[%multiple_of3A_179, %multiple_of3A] : memref<100000x1024xf32, #tpu.memory_space<hbm>> -> memref<448x128xf32, #tpu.memory_space<hbm>>
    %dma_wait3A_181 = tpu.memref_slice %arg5[%multiple_of3A_179, %multiple_of3A] : memref<100000x1024xf32, #tpu.memory_space<hbm>> -> memref<448x128xf32, #tpu.memory_space<hbm>>
    tpu.wait_dma2 semaphore(%arg13 : memref<!tpu.dma_semaphore, #tpu.memory_space<semaphore_mem>>) src(%arg11 : memref<448x128xf32, #tpu.memory_space<vmem>>) dst(%dma_wait3A_181 : memref<448x128xf32, #tpu.memory_space<hbm>>)
    %dma_wait3A_182 = arith.constant 0 : i32
    %dma_wait3A_183 = arith.constant 0 : i32
    %dma_wait3A_184 = tpu.memref_slice %arg12[%dma_wait3A_182, %dma_wait3A_183] : memref<448x128xf32, #tpu.memory_space<vmem>> -> memref<360x128xf32, #tpu.memory_space<vmem>>
    %dma_wait3A_185 = tpu.memref_slice %arg5[%multiple_of3A_168, %multiple_of3A] : memref<100000x1024xf32, #tpu.memory_space<hbm>> -> memref<360x128xf32, #tpu.memory_space<hbm>>
    %dma_wait3A_186 = tpu.memref_slice %arg5[%multiple_of3A_168, %multiple_of3A] : memref<100000x1024xf32, #tpu.memory_space<hbm>> -> memref<360x128xf32, #tpu.memory_space<hbm>>
    %dma_wait3A_187 = arith.constant 0 : i32
    %dma_wait3A_188 = arith.constant 0 : i32
    %dma_wait3A_189 = tpu.memref_slice %arg12[%dma_wait3A_187, %dma_wait3A_188] : memref<448x128xf32, #tpu.memory_space<vmem>> -> memref<360x128xf32, #tpu.memory_space<vmem>>
    tpu.wait_dma2 semaphore(%arg14 : memref<!tpu.dma_semaphore, #tpu.memory_space<semaphore_mem>>) src(%dma_wait3A_189 : memref<360x128xf32, #tpu.memory_space<vmem>>) dst(%dma_wait3A_186 : memref<360x128xf32, #tpu.memory_space<hbm>>)
    return
  }
}

module attributes {stable_mosaic.version = 14 : i64} {
  func.func @_tc_probs_body(%arg0: memref<20x64x1024xf32, #tpu.memory_space<vmem>>, %arg1: memref<64x1024xf32, #tpu.memory_space<vmem>>, %arg2: memref<20x1024xi32, #tpu.memory_space<vmem>>, %arg3: memref<64x64xf32, #tpu.memory_space<vmem>>, %arg4: memref<64x64xf32, #tpu.memory_space<vmem>>, %arg5: memref<1x64xf32, #tpu.memory_space<vmem>>, %arg6: memref<1xf32, #tpu.memory_space<vmem>>, %arg7: memref<20x1024xf32, #tpu.memory_space<vmem>>, %arg8: memref<20x1024xi32, #tpu.memory_space<vmem>>) attributes {dimension_semantics = [], scalar_prefetch = 0 : i64, scratch_operands = 0 : i64, tpu.core_type = #tpu.core_type<tc>} {
    %get3A = arith.constant 0 : index
    %get3A_0 = arith.constant 0 : index
    %get3A_1 = vector.load %arg3[%get3A, %get3A_0] : memref<64x64xf32, #tpu.memory_space<vmem>>, vector<64x64xf32>
    %get3A_2 = arith.constant 0 : index
    %get3A_3 = arith.constant 0 : index
    %get3A_4 = vector.load %arg1[%get3A_2, %get3A_3] : memref<64x1024xf32, #tpu.memory_space<vmem>>, vector<64x1024xf32>
    %dot_general3A = arith.constant dense<0.000000e+00> : vector<64x1024xf32>
    %dot_general3A_5 = tpu.matmul %get3A_1, %get3A_4, %dot_general3A {dimension_numbers = #tpu.dot_dimension_numbers<[1], [0], [0], [1], [0, 0, 1, 1], [], []>, precision = #tpu.contract_precision<fp32>, transpose_lhs_hint = false} : vector<64x64xf32>, vector<64x1024xf32>, vector<64x1024xf32> -> vector<64x1024xf32>
    %get3A_6 = arith.constant 0 : index
    %get3A_7 = arith.constant 0 : index
    %get3A_8 = vector.load %arg5[%get3A_6, %get3A_7] : memref<1x64xf32, #tpu.memory_space<vmem>>, vector<1x64xf32>
    %get3A_9 = arith.constant 0 : index
    %get3A_10 = arith.constant 0 : index
    %get3A_11 = vector.load %arg4[%get3A_9, %get3A_10] : memref<64x64xf32, #tpu.memory_space<vmem>>, vector<64x64xf32>
    %get3A_12 = arith.constant 0 : index
    %get3A_13 = arith.constant 0 : index
    %get3A_14 = arith.constant 0 : index
    %get3A_15 = vector.load %arg0[%get3A_12, %get3A_13, %get3A_14] : memref<20x64x1024xf32, #tpu.memory_space<vmem>>, vector<1x64x1024xf32>
    %get3A_16 = vector.shape_cast %get3A_15 : vector<1x64x1024xf32> to vector<64x1024xf32>
    %dot_general3A_17 = arith.constant dense<0.000000e+00> : vector<64x1024xf32>
    %dot_general3A_18 = tpu.matmul %get3A_11, %get3A_16, %dot_general3A_17 {dimension_numbers = #tpu.dot_dimension_numbers<[1], [0], [0], [1], [0, 0, 1, 1], [], []>, precision = #tpu.contract_precision<fp32>, transpose_lhs_hint = false} : vector<64x64xf32>, vector<64x1024xf32>, vector<64x1024xf32> -> vector<64x1024xf32>
    %add3A = arith.addf %dot_general3A_18, %dot_general3A_5 : vector<64x1024xf32>
    %tanh3A = math.tanh %add3A : vector<64x1024xf32>
    %dot_general3A_19 = arith.constant dense<0.000000e+00> : vector<1x1024xf32>
    %dot_general3A_20 = tpu.matmul %get3A_8, %tanh3A, %dot_general3A_19 {dimension_numbers = #tpu.dot_dimension_numbers<[1], [0], [0], [1], [0, 0, 1, 1], [], []>, precision = #tpu.contract_precision<fp32>, transpose_lhs_hint = false} : vector<1x64xf32>, vector<64x1024xf32>, vector<1x1024xf32> -> vector<1x1024xf32>
    %get3A_21 = arith.constant 0 : index
    %get3A_22 = arith.constant 0 : index
    %get3A_23 = vector.load %arg4[%get3A_21, %get3A_22] : memref<64x64xf32, #tpu.memory_space<vmem>>, vector<64x64xf32>
    %get3A_24 = arith.constant 1 : index
    %get3A_25 = arith.constant 0 : index
    %get3A_26 = arith.constant 0 : index
    %get3A_27 = vector.load %arg0[%get3A_24, %get3A_25, %get3A_26] : memref<20x64x1024xf32, #tpu.memory_space<vmem>>, vector<1x64x1024xf32>
    %get3A_28 = vector.shape_cast %get3A_27 : vector<1x64x1024xf32> to vector<64x1024xf32>
    %dot_general3A_29 = arith.constant dense<0.000000e+00> : vector<64x1024xf32>
    %dot_general3A_30 = tpu.matmul %get3A_23, %get3A_28, %dot_general3A_29 {dimension_numbers = #tpu.dot_dimension_numbers<[1], [0], [0], [1], [0, 0, 1, 1], [], []>, precision = #tpu.contract_precision<fp32>, transpose_lhs_hint = false} : vector<64x64xf32>, vector<64x1024xf32>, vector<64x1024xf32> -> vector<64x1024xf32>
    %add3A_31 = arith.addf %dot_general3A_30, %dot_general3A_5 : vector<64x1024xf32>
    %tanh3A_32 = math.tanh %add3A_31 : vector<64x1024xf32>
    %dot_general3A_33 = arith.constant dense<0.000000e+00> : vector<1x1024xf32>
    %dot_general3A_34 = tpu.matmul %get3A_8, %tanh3A_32, %dot_general3A_33 {dimension_numbers = #tpu.dot_dimension_numbers<[1], [0], [0], [1], [0, 0, 1, 1], [], []>, precision = #tpu.contract_precision<fp32>, transpose_lhs_hint = false} : vector<1x64xf32>, vector<64x1024xf32>, vector<1x1024xf32> -> vector<1x1024xf32>
    %get3A_35 = arith.constant 0 : index
    %get3A_36 = arith.constant 0 : index
    %get3A_37 = vector.load %arg4[%get3A_35, %get3A_36] : memref<64x64xf32, #tpu.memory_space<vmem>>, vector<64x64xf32>
    %get3A_38 = arith.constant 2 : index
    %get3A_39 = arith.constant 0 : index
    %get3A_40 = arith.constant 0 : index
    %get3A_41 = vector.load %arg0[%get3A_38, %get3A_39, %get3A_40] : memref<20x64x1024xf32, #tpu.memory_space<vmem>>, vector<1x64x1024xf32>
    %get3A_42 = vector.shape_cast %get3A_41 : vector<1x64x1024xf32> to vector<64x1024xf32>
    %dot_general3A_43 = arith.constant dense<0.000000e+00> : vector<64x1024xf32>
    %dot_general3A_44 = tpu.matmul %get3A_37, %get3A_42, %dot_general3A_43 {dimension_numbers = #tpu.dot_dimension_numbers<[1], [0], [0], [1], [0, 0, 1, 1], [], []>, precision = #tpu.contract_precision<fp32>, transpose_lhs_hint = false} : vector<64x64xf32>, vector<64x1024xf32>, vector<64x1024xf32> -> vector<64x1024xf32>
    %add3A_45 = arith.addf %dot_general3A_44, %dot_general3A_5 : vector<64x1024xf32>
    %tanh3A_46 = math.tanh %add3A_45 : vector<64x1024xf32>
    %dot_general3A_47 = arith.constant dense<0.000000e+00> : vector<1x1024xf32>
    %dot_general3A_48 = tpu.matmul %get3A_8, %tanh3A_46, %dot_general3A_47 {dimension_numbers = #tpu.dot_dimension_numbers<[1], [0], [0], [1], [0, 0, 1, 1], [], []>, precision = #tpu.contract_precision<fp32>, transpose_lhs_hint = false} : vector<1x64xf32>, vector<64x1024xf32>, vector<1x1024xf32> -> vector<1x1024xf32>
    %get3A_49 = arith.constant 0 : index
    %get3A_50 = arith.constant 0 : index
    %get3A_51 = vector.load %arg4[%get3A_49, %get3A_50] : memref<64x64xf32, #tpu.memory_space<vmem>>, vector<64x64xf32>
    %get3A_52 = arith.constant 3 : index
    %get3A_53 = arith.constant 0 : index
    %get3A_54 = arith.constant 0 : index
    %get3A_55 = vector.load %arg0[%get3A_52, %get3A_53, %get3A_54] : memref<20x64x1024xf32, #tpu.memory_space<vmem>>, vector<1x64x1024xf32>
    %get3A_56 = vector.shape_cast %get3A_55 : vector<1x64x1024xf32> to vector<64x1024xf32>
    %dot_general3A_57 = arith.constant dense<0.000000e+00> : vector<64x1024xf32>
    %dot_general3A_58 = tpu.matmul %get3A_51, %get3A_56, %dot_general3A_57 {dimension_numbers = #tpu.dot_dimension_numbers<[1], [0], [0], [1], [0, 0, 1, 1], [], []>, precision = #tpu.contract_precision<fp32>, transpose_lhs_hint = false} : vector<64x64xf32>, vector<64x1024xf32>, vector<64x1024xf32> -> vector<64x1024xf32>
    %add3A_59 = arith.addf %dot_general3A_58, %dot_general3A_5 : vector<64x1024xf32>
    %tanh3A_60 = math.tanh %add3A_59 : vector<64x1024xf32>
    %dot_general3A_61 = arith.constant dense<0.000000e+00> : vector<1x1024xf32>
    %dot_general3A_62 = tpu.matmul %get3A_8, %tanh3A_60, %dot_general3A_61 {dimension_numbers = #tpu.dot_dimension_numbers<[1], [0], [0], [1], [0, 0, 1, 1], [], []>, precision = #tpu.contract_precision<fp32>, transpose_lhs_hint = false} : vector<1x64xf32>, vector<64x1024xf32>, vector<1x1024xf32> -> vector<1x1024xf32>
    %get3A_63 = arith.constant 0 : index
    %get3A_64 = arith.constant 0 : index
    %get3A_65 = vector.load %arg4[%get3A_63, %get3A_64] : memref<64x64xf32, #tpu.memory_space<vmem>>, vector<64x64xf32>
    %get3A_66 = arith.constant 4 : index
    %get3A_67 = arith.constant 0 : index
    %get3A_68 = arith.constant 0 : index
    %get3A_69 = vector.load %arg0[%get3A_66, %get3A_67, %get3A_68] : memref<20x64x1024xf32, #tpu.memory_space<vmem>>, vector<1x64x1024xf32>
    %get3A_70 = vector.shape_cast %get3A_69 : vector<1x64x1024xf32> to vector<64x1024xf32>
    %dot_general3A_71 = arith.constant dense<0.000000e+00> : vector<64x1024xf32>
    %dot_general3A_72 = tpu.matmul %get3A_65, %get3A_70, %dot_general3A_71 {dimension_numbers = #tpu.dot_dimension_numbers<[1], [0], [0], [1], [0, 0, 1, 1], [], []>, precision = #tpu.contract_precision<fp32>, transpose_lhs_hint = false} : vector<64x64xf32>, vector<64x1024xf32>, vector<64x1024xf32> -> vector<64x1024xf32>
    %add3A_73 = arith.addf %dot_general3A_72, %dot_general3A_5 : vector<64x1024xf32>
    %tanh3A_74 = math.tanh %add3A_73 : vector<64x1024xf32>
    %dot_general3A_75 = arith.constant dense<0.000000e+00> : vector<1x1024xf32>
    %dot_general3A_76 = tpu.matmul %get3A_8, %tanh3A_74, %dot_general3A_75 {dimension_numbers = #tpu.dot_dimension_numbers<[1], [0], [0], [1], [0, 0, 1, 1], [], []>, precision = #tpu.contract_precision<fp32>, transpose_lhs_hint = false} : vector<1x64xf32>, vector<64x1024xf32>, vector<1x1024xf32> -> vector<1x1024xf32>
    %get3A_77 = arith.constant 0 : index
    %get3A_78 = arith.constant 0 : index
    %get3A_79 = vector.load %arg4[%get3A_77, %get3A_78] : memref<64x64xf32, #tpu.memory_space<vmem>>, vector<64x64xf32>
    %get3A_80 = arith.constant 5 : index
    %get3A_81 = arith.constant 0 : index
    %get3A_82 = arith.constant 0 : index
    %get3A_83 = vector.load %arg0[%get3A_80, %get3A_81, %get3A_82] : memref<20x64x1024xf32, #tpu.memory_space<vmem>>, vector<1x64x1024xf32>
    %get3A_84 = vector.shape_cast %get3A_83 : vector<1x64x1024xf32> to vector<64x1024xf32>
    %dot_general3A_85 = arith.constant dense<0.000000e+00> : vector<64x1024xf32>
    %dot_general3A_86 = tpu.matmul %get3A_79, %get3A_84, %dot_general3A_85 {dimension_numbers = #tpu.dot_dimension_numbers<[1], [0], [0], [1], [0, 0, 1, 1], [], []>, precision = #tpu.contract_precision<fp32>, transpose_lhs_hint = false} : vector<64x64xf32>, vector<64x1024xf32>, vector<64x1024xf32> -> vector<64x1024xf32>
    %add3A_87 = arith.addf %dot_general3A_86, %dot_general3A_5 : vector<64x1024xf32>
    %tanh3A_88 = math.tanh %add3A_87 : vector<64x1024xf32>
    %dot_general3A_89 = arith.constant dense<0.000000e+00> : vector<1x1024xf32>
    %dot_general3A_90 = tpu.matmul %get3A_8, %tanh3A_88, %dot_general3A_89 {dimension_numbers = #tpu.dot_dimension_numbers<[1], [0], [0], [1], [0, 0, 1, 1], [], []>, precision = #tpu.contract_precision<fp32>, transpose_lhs_hint = false} : vector<1x64xf32>, vector<64x1024xf32>, vector<1x1024xf32> -> vector<1x1024xf32>
    %get3A_91 = arith.constant 0 : index
    %get3A_92 = arith.constant 0 : index
    %get3A_93 = vector.load %arg4[%get3A_91, %get3A_92] : memref<64x64xf32, #tpu.memory_space<vmem>>, vector<64x64xf32>
    %get3A_94 = arith.constant 6 : index
    %get3A_95 = arith.constant 0 : index
    %get3A_96 = arith.constant 0 : index
    %get3A_97 = vector.load %arg0[%get3A_94, %get3A_95, %get3A_96] : memref<20x64x1024xf32, #tpu.memory_space<vmem>>, vector<1x64x1024xf32>
    %get3A_98 = vector.shape_cast %get3A_97 : vector<1x64x1024xf32> to vector<64x1024xf32>
    %dot_general3A_99 = arith.constant dense<0.000000e+00> : vector<64x1024xf32>
    %dot_general3A_100 = tpu.matmul %get3A_93, %get3A_98, %dot_general3A_99 {dimension_numbers = #tpu.dot_dimension_numbers<[1], [0], [0], [1], [0, 0, 1, 1], [], []>, precision = #tpu.contract_precision<fp32>, transpose_lhs_hint = false} : vector<64x64xf32>, vector<64x1024xf32>, vector<64x1024xf32> -> vector<64x1024xf32>
    %add3A_101 = arith.addf %dot_general3A_100, %dot_general3A_5 : vector<64x1024xf32>
    %tanh3A_102 = math.tanh %add3A_101 : vector<64x1024xf32>
    %dot_general3A_103 = arith.constant dense<0.000000e+00> : vector<1x1024xf32>
    %dot_general3A_104 = tpu.matmul %get3A_8, %tanh3A_102, %dot_general3A_103 {dimension_numbers = #tpu.dot_dimension_numbers<[1], [0], [0], [1], [0, 0, 1, 1], [], []>, precision = #tpu.contract_precision<fp32>, transpose_lhs_hint = false} : vector<1x64xf32>, vector<64x1024xf32>, vector<1x1024xf32> -> vector<1x1024xf32>
    %get3A_105 = arith.constant 0 : index
    %get3A_106 = arith.constant 0 : index
    %get3A_107 = vector.load %arg4[%get3A_105, %get3A_106] : memref<64x64xf32, #tpu.memory_space<vmem>>, vector<64x64xf32>
    %get3A_108 = arith.constant 7 : index
    %get3A_109 = arith.constant 0 : index
    %get3A_110 = arith.constant 0 : index
    %get3A_111 = vector.load %arg0[%get3A_108, %get3A_109, %get3A_110] : memref<20x64x1024xf32, #tpu.memory_space<vmem>>, vector<1x64x1024xf32>
    %get3A_112 = vector.shape_cast %get3A_111 : vector<1x64x1024xf32> to vector<64x1024xf32>
    %dot_general3A_113 = arith.constant dense<0.000000e+00> : vector<64x1024xf32>
    %dot_general3A_114 = tpu.matmul %get3A_107, %get3A_112, %dot_general3A_113 {dimension_numbers = #tpu.dot_dimension_numbers<[1], [0], [0], [1], [0, 0, 1, 1], [], []>, precision = #tpu.contract_precision<fp32>, transpose_lhs_hint = false} : vector<64x64xf32>, vector<64x1024xf32>, vector<64x1024xf32> -> vector<64x1024xf32>
    %add3A_115 = arith.addf %dot_general3A_114, %dot_general3A_5 : vector<64x1024xf32>
    %tanh3A_116 = math.tanh %add3A_115 : vector<64x1024xf32>
    %dot_general3A_117 = arith.constant dense<0.000000e+00> : vector<1x1024xf32>
    %dot_general3A_118 = tpu.matmul %get3A_8, %tanh3A_116, %dot_general3A_117 {dimension_numbers = #tpu.dot_dimension_numbers<[1], [0], [0], [1], [0, 0, 1, 1], [], []>, precision = #tpu.contract_precision<fp32>, transpose_lhs_hint = false} : vector<1x64xf32>, vector<64x1024xf32>, vector<1x1024xf32> -> vector<1x1024xf32>
    %get3A_119 = arith.constant 0 : index
    %get3A_120 = arith.constant 0 : index
    %get3A_121 = vector.load %arg4[%get3A_119, %get3A_120] : memref<64x64xf32, #tpu.memory_space<vmem>>, vector<64x64xf32>
    %get3A_122 = arith.constant 8 : index
    %get3A_123 = arith.constant 0 : index
    %get3A_124 = arith.constant 0 : index
    %get3A_125 = vector.load %arg0[%get3A_122, %get3A_123, %get3A_124] : memref<20x64x1024xf32, #tpu.memory_space<vmem>>, vector<1x64x1024xf32>
    %get3A_126 = vector.shape_cast %get3A_125 : vector<1x64x1024xf32> to vector<64x1024xf32>
    %dot_general3A_127 = arith.constant dense<0.000000e+00> : vector<64x1024xf32>
    %dot_general3A_128 = tpu.matmul %get3A_121, %get3A_126, %dot_general3A_127 {dimension_numbers = #tpu.dot_dimension_numbers<[1], [0], [0], [1], [0, 0, 1, 1], [], []>, precision = #tpu.contract_precision<fp32>, transpose_lhs_hint = false} : vector<64x64xf32>, vector<64x1024xf32>, vector<64x1024xf32> -> vector<64x1024xf32>
    %add3A_129 = arith.addf %dot_general3A_128, %dot_general3A_5 : vector<64x1024xf32>
    %tanh3A_130 = math.tanh %add3A_129 : vector<64x1024xf32>
    %dot_general3A_131 = arith.constant dense<0.000000e+00> : vector<1x1024xf32>
    %dot_general3A_132 = tpu.matmul %get3A_8, %tanh3A_130, %dot_general3A_131 {dimension_numbers = #tpu.dot_dimension_numbers<[1], [0], [0], [1], [0, 0, 1, 1], [], []>, precision = #tpu.contract_precision<fp32>, transpose_lhs_hint = false} : vector<1x64xf32>, vector<64x1024xf32>, vector<1x1024xf32> -> vector<1x1024xf32>
    %get3A_133 = arith.constant 0 : index
    %get3A_134 = arith.constant 0 : index
    %get3A_135 = vector.load %arg4[%get3A_133, %get3A_134] : memref<64x64xf32, #tpu.memory_space<vmem>>, vector<64x64xf32>
    %get3A_136 = arith.constant 9 : index
    %get3A_137 = arith.constant 0 : index
    %get3A_138 = arith.constant 0 : index
    %get3A_139 = vector.load %arg0[%get3A_136, %get3A_137, %get3A_138] : memref<20x64x1024xf32, #tpu.memory_space<vmem>>, vector<1x64x1024xf32>
    %get3A_140 = vector.shape_cast %get3A_139 : vector<1x64x1024xf32> to vector<64x1024xf32>
    %dot_general3A_141 = arith.constant dense<0.000000e+00> : vector<64x1024xf32>
    %dot_general3A_142 = tpu.matmul %get3A_135, %get3A_140, %dot_general3A_141 {dimension_numbers = #tpu.dot_dimension_numbers<[1], [0], [0], [1], [0, 0, 1, 1], [], []>, precision = #tpu.contract_precision<fp32>, transpose_lhs_hint = false} : vector<64x64xf32>, vector<64x1024xf32>, vector<64x1024xf32> -> vector<64x1024xf32>
    %add3A_143 = arith.addf %dot_general3A_142, %dot_general3A_5 : vector<64x1024xf32>
    %tanh3A_144 = math.tanh %add3A_143 : vector<64x1024xf32>
    %dot_general3A_145 = arith.constant dense<0.000000e+00> : vector<1x1024xf32>
    %dot_general3A_146 = tpu.matmul %get3A_8, %tanh3A_144, %dot_general3A_145 {dimension_numbers = #tpu.dot_dimension_numbers<[1], [0], [0], [1], [0, 0, 1, 1], [], []>, precision = #tpu.contract_precision<fp32>, transpose_lhs_hint = false} : vector<1x64xf32>, vector<64x1024xf32>, vector<1x1024xf32> -> vector<1x1024xf32>
    %get3A_147 = arith.constant 0 : index
    %get3A_148 = arith.constant 0 : index
    %get3A_149 = vector.load %arg4[%get3A_147, %get3A_148] : memref<64x64xf32, #tpu.memory_space<vmem>>, vector<64x64xf32>
    %get3A_150 = arith.constant 10 : index
    %get3A_151 = arith.constant 0 : index
    %get3A_152 = arith.constant 0 : index
    %get3A_153 = vector.load %arg0[%get3A_150, %get3A_151, %get3A_152] : memref<20x64x1024xf32, #tpu.memory_space<vmem>>, vector<1x64x1024xf32>
    %get3A_154 = vector.shape_cast %get3A_153 : vector<1x64x1024xf32> to vector<64x1024xf32>
    %dot_general3A_155 = arith.constant dense<0.000000e+00> : vector<64x1024xf32>
    %dot_general3A_156 = tpu.matmul %get3A_149, %get3A_154, %dot_general3A_155 {dimension_numbers = #tpu.dot_dimension_numbers<[1], [0], [0], [1], [0, 0, 1, 1], [], []>, precision = #tpu.contract_precision<fp32>, transpose_lhs_hint = false} : vector<64x64xf32>, vector<64x1024xf32>, vector<64x1024xf32> -> vector<64x1024xf32>
    %add3A_157 = arith.addf %dot_general3A_156, %dot_general3A_5 : vector<64x1024xf32>
    %tanh3A_158 = math.tanh %add3A_157 : vector<64x1024xf32>
    %dot_general3A_159 = arith.constant dense<0.000000e+00> : vector<1x1024xf32>
    %dot_general3A_160 = tpu.matmul %get3A_8, %tanh3A_158, %dot_general3A_159 {dimension_numbers = #tpu.dot_dimension_numbers<[1], [0], [0], [1], [0, 0, 1, 1], [], []>, precision = #tpu.contract_precision<fp32>, transpose_lhs_hint = false} : vector<1x64xf32>, vector<64x1024xf32>, vector<1x1024xf32> -> vector<1x1024xf32>
    %get3A_161 = arith.constant 0 : index
    %get3A_162 = arith.constant 0 : index
    %get3A_163 = vector.load %arg4[%get3A_161, %get3A_162] : memref<64x64xf32, #tpu.memory_space<vmem>>, vector<64x64xf32>
    %get3A_164 = arith.constant 11 : index
    %get3A_165 = arith.constant 0 : index
    %get3A_166 = arith.constant 0 : index
    %get3A_167 = vector.load %arg0[%get3A_164, %get3A_165, %get3A_166] : memref<20x64x1024xf32, #tpu.memory_space<vmem>>, vector<1x64x1024xf32>
    %get3A_168 = vector.shape_cast %get3A_167 : vector<1x64x1024xf32> to vector<64x1024xf32>
    %dot_general3A_169 = arith.constant dense<0.000000e+00> : vector<64x1024xf32>
    %dot_general3A_170 = tpu.matmul %get3A_163, %get3A_168, %dot_general3A_169 {dimension_numbers = #tpu.dot_dimension_numbers<[1], [0], [0], [1], [0, 0, 1, 1], [], []>, precision = #tpu.contract_precision<fp32>, transpose_lhs_hint = false} : vector<64x64xf32>, vector<64x1024xf32>, vector<64x1024xf32> -> vector<64x1024xf32>
    %add3A_171 = arith.addf %dot_general3A_170, %dot_general3A_5 : vector<64x1024xf32>
    %tanh3A_172 = math.tanh %add3A_171 : vector<64x1024xf32>
    %dot_general3A_173 = arith.constant dense<0.000000e+00> : vector<1x1024xf32>
    %dot_general3A_174 = tpu.matmul %get3A_8, %tanh3A_172, %dot_general3A_173 {dimension_numbers = #tpu.dot_dimension_numbers<[1], [0], [0], [1], [0, 0, 1, 1], [], []>, precision = #tpu.contract_precision<fp32>, transpose_lhs_hint = false} : vector<1x64xf32>, vector<64x1024xf32>, vector<1x1024xf32> -> vector<1x1024xf32>
    %get3A_175 = arith.constant 0 : index
    %get3A_176 = arith.constant 0 : index
    %get3A_177 = vector.load %arg4[%get3A_175, %get3A_176] : memref<64x64xf32, #tpu.memory_space<vmem>>, vector<64x64xf32>
    %get3A_178 = arith.constant 12 : index
    %get3A_179 = arith.constant 0 : index
    %get3A_180 = arith.constant 0 : index
    %get3A_181 = vector.load %arg0[%get3A_178, %get3A_179, %get3A_180] : memref<20x64x1024xf32, #tpu.memory_space<vmem>>, vector<1x64x1024xf32>
    %get3A_182 = vector.shape_cast %get3A_181 : vector<1x64x1024xf32> to vector<64x1024xf32>
    %dot_general3A_183 = arith.constant dense<0.000000e+00> : vector<64x1024xf32>
    %dot_general3A_184 = tpu.matmul %get3A_177, %get3A_182, %dot_general3A_183 {dimension_numbers = #tpu.dot_dimension_numbers<[1], [0], [0], [1], [0, 0, 1, 1], [], []>, precision = #tpu.contract_precision<fp32>, transpose_lhs_hint = false} : vector<64x64xf32>, vector<64x1024xf32>, vector<64x1024xf32> -> vector<64x1024xf32>
    %add3A_185 = arith.addf %dot_general3A_184, %dot_general3A_5 : vector<64x1024xf32>
    %tanh3A_186 = math.tanh %add3A_185 : vector<64x1024xf32>
    %dot_general3A_187 = arith.constant dense<0.000000e+00> : vector<1x1024xf32>
    %dot_general3A_188 = tpu.matmul %get3A_8, %tanh3A_186, %dot_general3A_187 {dimension_numbers = #tpu.dot_dimension_numbers<[1], [0], [0], [1], [0, 0, 1, 1], [], []>, precision = #tpu.contract_precision<fp32>, transpose_lhs_hint = false} : vector<1x64xf32>, vector<64x1024xf32>, vector<1x1024xf32> -> vector<1x1024xf32>
    %get3A_189 = arith.constant 0 : index
    %get3A_190 = arith.constant 0 : index
    %get3A_191 = vector.load %arg4[%get3A_189, %get3A_190] : memref<64x64xf32, #tpu.memory_space<vmem>>, vector<64x64xf32>
    %get3A_192 = arith.constant 13 : index
    %get3A_193 = arith.constant 0 : index
    %get3A_194 = arith.constant 0 : index
    %get3A_195 = vector.load %arg0[%get3A_192, %get3A_193, %get3A_194] : memref<20x64x1024xf32, #tpu.memory_space<vmem>>, vector<1x64x1024xf32>
    %get3A_196 = vector.shape_cast %get3A_195 : vector<1x64x1024xf32> to vector<64x1024xf32>
    %dot_general3A_197 = arith.constant dense<0.000000e+00> : vector<64x1024xf32>
    %dot_general3A_198 = tpu.matmul %get3A_191, %get3A_196, %dot_general3A_197 {dimension_numbers = #tpu.dot_dimension_numbers<[1], [0], [0], [1], [0, 0, 1, 1], [], []>, precision = #tpu.contract_precision<fp32>, transpose_lhs_hint = false} : vector<64x64xf32>, vector<64x1024xf32>, vector<64x1024xf32> -> vector<64x1024xf32>
    %add3A_199 = arith.addf %dot_general3A_198, %dot_general3A_5 : vector<64x1024xf32>
    %tanh3A_200 = math.tanh %add3A_199 : vector<64x1024xf32>
    %dot_general3A_201 = arith.constant dense<0.000000e+00> : vector<1x1024xf32>
    %dot_general3A_202 = tpu.matmul %get3A_8, %tanh3A_200, %dot_general3A_201 {dimension_numbers = #tpu.dot_dimension_numbers<[1], [0], [0], [1], [0, 0, 1, 1], [], []>, precision = #tpu.contract_precision<fp32>, transpose_lhs_hint = false} : vector<1x64xf32>, vector<64x1024xf32>, vector<1x1024xf32> -> vector<1x1024xf32>
    %get3A_203 = arith.constant 0 : index
    %get3A_204 = arith.constant 0 : index
    %get3A_205 = vector.load %arg4[%get3A_203, %get3A_204] : memref<64x64xf32, #tpu.memory_space<vmem>>, vector<64x64xf32>
    %get3A_206 = arith.constant 14 : index
    %get3A_207 = arith.constant 0 : index
    %get3A_208 = arith.constant 0 : index
    %get3A_209 = vector.load %arg0[%get3A_206, %get3A_207, %get3A_208] : memref<20x64x1024xf32, #tpu.memory_space<vmem>>, vector<1x64x1024xf32>
    %get3A_210 = vector.shape_cast %get3A_209 : vector<1x64x1024xf32> to vector<64x1024xf32>
    %dot_general3A_211 = arith.constant dense<0.000000e+00> : vector<64x1024xf32>
    %dot_general3A_212 = tpu.matmul %get3A_205, %get3A_210, %dot_general3A_211 {dimension_numbers = #tpu.dot_dimension_numbers<[1], [0], [0], [1], [0, 0, 1, 1], [], []>, precision = #tpu.contract_precision<fp32>, transpose_lhs_hint = false} : vector<64x64xf32>, vector<64x1024xf32>, vector<64x1024xf32> -> vector<64x1024xf32>
    %add3A_213 = arith.addf %dot_general3A_212, %dot_general3A_5 : vector<64x1024xf32>
    %tanh3A_214 = math.tanh %add3A_213 : vector<64x1024xf32>
    %dot_general3A_215 = arith.constant dense<0.000000e+00> : vector<1x1024xf32>
    %dot_general3A_216 = tpu.matmul %get3A_8, %tanh3A_214, %dot_general3A_215 {dimension_numbers = #tpu.dot_dimension_numbers<[1], [0], [0], [1], [0, 0, 1, 1], [], []>, precision = #tpu.contract_precision<fp32>, transpose_lhs_hint = false} : vector<1x64xf32>, vector<64x1024xf32>, vector<1x1024xf32> -> vector<1x1024xf32>
    %get3A_217 = arith.constant 0 : index
    %get3A_218 = arith.constant 0 : index
    %get3A_219 = vector.load %arg4[%get3A_217, %get3A_218] : memref<64x64xf32, #tpu.memory_space<vmem>>, vector<64x64xf32>
    %get3A_220 = arith.constant 15 : index
    %get3A_221 = arith.constant 0 : index
    %get3A_222 = arith.constant 0 : index
    %get3A_223 = vector.load %arg0[%get3A_220, %get3A_221, %get3A_222] : memref<20x64x1024xf32, #tpu.memory_space<vmem>>, vector<1x64x1024xf32>
    %get3A_224 = vector.shape_cast %get3A_223 : vector<1x64x1024xf32> to vector<64x1024xf32>
    %dot_general3A_225 = arith.constant dense<0.000000e+00> : vector<64x1024xf32>
    %dot_general3A_226 = tpu.matmul %get3A_219, %get3A_224, %dot_general3A_225 {dimension_numbers = #tpu.dot_dimension_numbers<[1], [0], [0], [1], [0, 0, 1, 1], [], []>, precision = #tpu.contract_precision<fp32>, transpose_lhs_hint = false} : vector<64x64xf32>, vector<64x1024xf32>, vector<64x1024xf32> -> vector<64x1024xf32>
    %add3A_227 = arith.addf %dot_general3A_226, %dot_general3A_5 : vector<64x1024xf32>
    %tanh3A_228 = math.tanh %add3A_227 : vector<64x1024xf32>
    %dot_general3A_229 = arith.constant dense<0.000000e+00> : vector<1x1024xf32>
    %dot_general3A_230 = tpu.matmul %get3A_8, %tanh3A_228, %dot_general3A_229 {dimension_numbers = #tpu.dot_dimension_numbers<[1], [0], [0], [1], [0, 0, 1, 1], [], []>, precision = #tpu.contract_precision<fp32>, transpose_lhs_hint = false} : vector<1x64xf32>, vector<64x1024xf32>, vector<1x1024xf32> -> vector<1x1024xf32>
    %get3A_231 = arith.constant 0 : index
    %get3A_232 = arith.constant 0 : index
    %get3A_233 = vector.load %arg4[%get3A_231, %get3A_232] : memref<64x64xf32, #tpu.memory_space<vmem>>, vector<64x64xf32>
    %get3A_234 = arith.constant 16 : index
    %get3A_235 = arith.constant 0 : index
    %get3A_236 = arith.constant 0 : index
    %get3A_237 = vector.load %arg0[%get3A_234, %get3A_235, %get3A_236] : memref<20x64x1024xf32, #tpu.memory_space<vmem>>, vector<1x64x1024xf32>
    %get3A_238 = vector.shape_cast %get3A_237 : vector<1x64x1024xf32> to vector<64x1024xf32>
    %dot_general3A_239 = arith.constant dense<0.000000e+00> : vector<64x1024xf32>
    %dot_general3A_240 = tpu.matmul %get3A_233, %get3A_238, %dot_general3A_239 {dimension_numbers = #tpu.dot_dimension_numbers<[1], [0], [0], [1], [0, 0, 1, 1], [], []>, precision = #tpu.contract_precision<fp32>, transpose_lhs_hint = false} : vector<64x64xf32>, vector<64x1024xf32>, vector<64x1024xf32> -> vector<64x1024xf32>
    %add3A_241 = arith.addf %dot_general3A_240, %dot_general3A_5 : vector<64x1024xf32>
    %tanh3A_242 = math.tanh %add3A_241 : vector<64x1024xf32>
    %dot_general3A_243 = arith.constant dense<0.000000e+00> : vector<1x1024xf32>
    %dot_general3A_244 = tpu.matmul %get3A_8, %tanh3A_242, %dot_general3A_243 {dimension_numbers = #tpu.dot_dimension_numbers<[1], [0], [0], [1], [0, 0, 1, 1], [], []>, precision = #tpu.contract_precision<fp32>, transpose_lhs_hint = false} : vector<1x64xf32>, vector<64x1024xf32>, vector<1x1024xf32> -> vector<1x1024xf32>
    %get3A_245 = arith.constant 0 : index
    %get3A_246 = arith.constant 0 : index
    %get3A_247 = vector.load %arg4[%get3A_245, %get3A_246] : memref<64x64xf32, #tpu.memory_space<vmem>>, vector<64x64xf32>
    %get3A_248 = arith.constant 17 : index
    %get3A_249 = arith.constant 0 : index
    %get3A_250 = arith.constant 0 : index
    %get3A_251 = vector.load %arg0[%get3A_248, %get3A_249, %get3A_250] : memref<20x64x1024xf32, #tpu.memory_space<vmem>>, vector<1x64x1024xf32>
    %get3A_252 = vector.shape_cast %get3A_251 : vector<1x64x1024xf32> to vector<64x1024xf32>
    %dot_general3A_253 = arith.constant dense<0.000000e+00> : vector<64x1024xf32>
    %dot_general3A_254 = tpu.matmul %get3A_247, %get3A_252, %dot_general3A_253 {dimension_numbers = #tpu.dot_dimension_numbers<[1], [0], [0], [1], [0, 0, 1, 1], [], []>, precision = #tpu.contract_precision<fp32>, transpose_lhs_hint = false} : vector<64x64xf32>, vector<64x1024xf32>, vector<64x1024xf32> -> vector<64x1024xf32>
    %add3A_255 = arith.addf %dot_general3A_254, %dot_general3A_5 : vector<64x1024xf32>
    %tanh3A_256 = math.tanh %add3A_255 : vector<64x1024xf32>
    %dot_general3A_257 = arith.constant dense<0.000000e+00> : vector<1x1024xf32>
    %dot_general3A_258 = tpu.matmul %get3A_8, %tanh3A_256, %dot_general3A_257 {dimension_numbers = #tpu.dot_dimension_numbers<[1], [0], [0], [1], [0, 0, 1, 1], [], []>, precision = #tpu.contract_precision<fp32>, transpose_lhs_hint = false} : vector<1x64xf32>, vector<64x1024xf32>, vector<1x1024xf32> -> vector<1x1024xf32>
    %get3A_259 = arith.constant 0 : index
    %get3A_260 = arith.constant 0 : index
    %get3A_261 = vector.load %arg4[%get3A_259, %get3A_260] : memref<64x64xf32, #tpu.memory_space<vmem>>, vector<64x64xf32>
    %get3A_262 = arith.constant 18 : index
    %get3A_263 = arith.constant 0 : index
    %get3A_264 = arith.constant 0 : index
    %get3A_265 = vector.load %arg0[%get3A_262, %get3A_263, %get3A_264] : memref<20x64x1024xf32, #tpu.memory_space<vmem>>, vector<1x64x1024xf32>
    %get3A_266 = vector.shape_cast %get3A_265 : vector<1x64x1024xf32> to vector<64x1024xf32>
    %dot_general3A_267 = arith.constant dense<0.000000e+00> : vector<64x1024xf32>
    %dot_general3A_268 = tpu.matmul %get3A_261, %get3A_266, %dot_general3A_267 {dimension_numbers = #tpu.dot_dimension_numbers<[1], [0], [0], [1], [0, 0, 1, 1], [], []>, precision = #tpu.contract_precision<fp32>, transpose_lhs_hint = false} : vector<64x64xf32>, vector<64x1024xf32>, vector<64x1024xf32> -> vector<64x1024xf32>
    %add3A_269 = arith.addf %dot_general3A_268, %dot_general3A_5 : vector<64x1024xf32>
    %tanh3A_270 = math.tanh %add3A_269 : vector<64x1024xf32>
    %dot_general3A_271 = arith.constant dense<0.000000e+00> : vector<1x1024xf32>
    %dot_general3A_272 = tpu.matmul %get3A_8, %tanh3A_270, %dot_general3A_271 {dimension_numbers = #tpu.dot_dimension_numbers<[1], [0], [0], [1], [0, 0, 1, 1], [], []>, precision = #tpu.contract_precision<fp32>, transpose_lhs_hint = false} : vector<1x64xf32>, vector<64x1024xf32>, vector<1x1024xf32> -> vector<1x1024xf32>
    %get3A_273 = arith.constant 0 : index
    %get3A_274 = arith.constant 0 : index
    %get3A_275 = vector.load %arg4[%get3A_273, %get3A_274] : memref<64x64xf32, #tpu.memory_space<vmem>>, vector<64x64xf32>
    %get3A_276 = arith.constant 19 : index
    %get3A_277 = arith.constant 0 : index
    %get3A_278 = arith.constant 0 : index
    %get3A_279 = vector.load %arg0[%get3A_276, %get3A_277, %get3A_278] : memref<20x64x1024xf32, #tpu.memory_space<vmem>>, vector<1x64x1024xf32>
    %get3A_280 = vector.shape_cast %get3A_279 : vector<1x64x1024xf32> to vector<64x1024xf32>
    %dot_general3A_281 = arith.constant dense<0.000000e+00> : vector<64x1024xf32>
    %dot_general3A_282 = tpu.matmul %get3A_275, %get3A_280, %dot_general3A_281 {dimension_numbers = #tpu.dot_dimension_numbers<[1], [0], [0], [1], [0, 0, 1, 1], [], []>, precision = #tpu.contract_precision<fp32>, transpose_lhs_hint = false} : vector<64x64xf32>, vector<64x1024xf32>, vector<64x1024xf32> -> vector<64x1024xf32>
    %add3A_283 = arith.addf %dot_general3A_282, %dot_general3A_5 : vector<64x1024xf32>
    %tanh3A_284 = math.tanh %add3A_283 : vector<64x1024xf32>
    %dot_general3A_285 = arith.constant dense<0.000000e+00> : vector<1x1024xf32>
    %dot_general3A_286 = tpu.matmul %get3A_8, %tanh3A_284, %dot_general3A_285 {dimension_numbers = #tpu.dot_dimension_numbers<[1], [0], [0], [1], [0, 0, 1, 1], [], []>, precision = #tpu.contract_precision<fp32>, transpose_lhs_hint = false} : vector<1x64xf32>, vector<64x1024xf32>, vector<1x1024xf32> -> vector<1x1024xf32>
    %concatenate3A = tpu.concatenate %dot_general3A_20, %dot_general3A_34, %dot_general3A_48, %dot_general3A_62, %dot_general3A_76, %dot_general3A_90, %dot_general3A_104, %dot_general3A_118, %dot_general3A_132, %dot_general3A_146, %dot_general3A_160, %dot_general3A_174, %dot_general3A_188, %dot_general3A_202, %dot_general3A_216, %dot_general3A_230, %dot_general3A_244, %dot_general3A_258, %dot_general3A_272, %dot_general3A_286 in 0 : vector<1x1024xf32>, vector<1x1024xf32>, vector<1x1024xf32>, vector<1x1024xf32>, vector<1x1024xf32>, vector<1x1024xf32>, vector<1x1024xf32>, vector<1x1024xf32>, vector<1x1024xf32>, vector<1x1024xf32>, vector<1x1024xf32>, vector<1x1024xf32>, vector<1x1024xf32>, vector<1x1024xf32>, vector<1x1024xf32>, vector<1x1024xf32>, vector<1x1024xf32>, vector<1x1024xf32>, vector<1x1024xf32>, vector<1x1024xf32> -> vector<20x1024xf32>
    %get3A_287 = arith.constant 0 : index
    %get3A_288 = vector.load %arg6[%get3A_287] : memref<1xf32, #tpu.memory_space<vmem>>, vector<1xf32>
    %broadcast_in_dim3A = vector.shape_cast %get3A_288 : vector<1xf32> to vector<1x1xf32>
    %add3A_289 = vector.broadcast %broadcast_in_dim3A : vector<1x1xf32> to vector<20x1024xf32>
    %add3A_290 = arith.addf %concatenate3A, %add3A_289 : vector<20x1024xf32>
    %reduce_max3A = arith.constant dense<0xFF800000> : vector<1024xf32>
    %reduce_max3A_291 = vector.multi_reduction <maximumf>, %add3A_290, %reduce_max3A [0] : vector<20x1024xf32> to vector<1024xf32>
    %broadcast_in_dim3A_292 = vector.shape_cast %reduce_max3A_291 : vector<1024xf32> to vector<1x1024xf32>
    %sub3A = vector.broadcast %broadcast_in_dim3A_292 : vector<1x1024xf32> to vector<20x1024xf32>
    %sub3A_293 = arith.subf %add3A_290, %sub3A : vector<20x1024xf32>
    %exp3A = math.exp %sub3A_293 : vector<20x1024xf32>
    %reduce_sum3A = arith.constant dense<0.000000e+00> : vector<1024xf32>
    %reduce_sum3A_294 = vector.multi_reduction <add>, %exp3A, %reduce_sum3A [0] : vector<20x1024xf32> to vector<1024xf32>
    %broadcast_in_dim3A_295 = vector.shape_cast %reduce_sum3A_294 : vector<1024xf32> to vector<1x1024xf32>
    %div3A = vector.broadcast %broadcast_in_dim3A_295 : vector<1x1024xf32> to vector<20x1024xf32>
    %div3A_296 = arith.divf %exp3A, %div3A : vector<20x1024xf32>
    %get3A_297 = arith.constant 0 : index
    %get3A_298 = arith.constant 0 : index
    %get3A_299 = vector.load %arg2[%get3A_297, %get3A_298] : memref<20x1024xi32, #tpu.memory_space<vmem>>, vector<20x1024xi32>
    %broadcast_in_dim3A_300 = arith.constant 0.000000e+00 : f32
    %broadcast_in_dim3A_301 = vector.broadcast %broadcast_in_dim3A_300 : f32 to vector<20x1024xf32>
    %slice3A = vector.extract_strided_slice %get3A_299 {offsets = [0, 0], sizes = [1, 1024], strides = [1, 1]} : vector<20x1024xi32> to vector<1x1024xi32>
    %eq3A = vector.broadcast %slice3A : vector<1x1024xi32> to vector<20x1024xi32>
    %eq3A_302 = arith.cmpi eq, %get3A_299, %eq3A : vector<20x1024xi32>
    %slice3A_303 = vector.extract_strided_slice %div3A_296 {offsets = [0, 0], sizes = [1, 1024], strides = [1, 1]} : vector<20x1024xf32> to vector<1x1024xf32>
    %jit3A = arith.constant 0.000000e+00 : f32
    %broadcast_in_dim3A_304 = vector.shape_cast %slice3A_303 : vector<1x1024xf32> to vector<1x1024xf32>
    %broadcast_in_dim3A_305 = vector.broadcast %broadcast_in_dim3A_304 : vector<1x1024xf32> to vector<20x1024xf32>
    %broadcast_in_dim3A_306 = vector.broadcast %jit3A : f32 to vector<20x1024xf32>
    %select_n3A = arith.select %eq3A_302, %broadcast_in_dim3A_305, %broadcast_in_dim3A_306 : vector<20x1024xi1>, vector<20x1024xf32>
    %add3A_307 = arith.addf %broadcast_in_dim3A_301, %select_n3A : vector<20x1024xf32>
    %slice3A_308 = vector.extract_strided_slice %get3A_299 {offsets = [1, 0], sizes = [1, 1024], strides = [1, 1]} : vector<20x1024xi32> to vector<1x1024xi32>
    %eq3A_309 = vector.broadcast %slice3A_308 : vector<1x1024xi32> to vector<20x1024xi32>
    %eq3A_310 = arith.cmpi eq, %get3A_299, %eq3A_309 : vector<20x1024xi32>
    %slice3A_311 = vector.extract_strided_slice %div3A_296 {offsets = [1, 0], sizes = [1, 1024], strides = [1, 1]} : vector<20x1024xf32> to vector<1x1024xf32>
    %jit3A_312 = arith.constant 0.000000e+00 : f32
    %broadcast_in_dim3A_313 = vector.shape_cast %slice3A_311 : vector<1x1024xf32> to vector<1x1024xf32>
    %broadcast_in_dim3A_314 = vector.broadcast %broadcast_in_dim3A_313 : vector<1x1024xf32> to vector<20x1024xf32>
    %broadcast_in_dim3A_315 = vector.broadcast %jit3A_312 : f32 to vector<20x1024xf32>
    %select_n3A_316 = arith.select %eq3A_310, %broadcast_in_dim3A_314, %broadcast_in_dim3A_315 : vector<20x1024xi1>, vector<20x1024xf32>
    %add3A_317 = arith.addf %add3A_307, %select_n3A_316 : vector<20x1024xf32>
    %slice3A_318 = vector.extract_strided_slice %get3A_299 {offsets = [2, 0], sizes = [1, 1024], strides = [1, 1]} : vector<20x1024xi32> to vector<1x1024xi32>
    %eq3A_319 = vector.broadcast %slice3A_318 : vector<1x1024xi32> to vector<20x1024xi32>
    %eq3A_320 = arith.cmpi eq, %get3A_299, %eq3A_319 : vector<20x1024xi32>
    %slice3A_321 = vector.extract_strided_slice %div3A_296 {offsets = [2, 0], sizes = [1, 1024], strides = [1, 1]} : vector<20x1024xf32> to vector<1x1024xf32>
    %jit3A_322 = arith.constant 0.000000e+00 : f32
    %broadcast_in_dim3A_323 = vector.shape_cast %slice3A_321 : vector<1x1024xf32> to vector<1x1024xf32>
    %broadcast_in_dim3A_324 = vector.broadcast %broadcast_in_dim3A_323 : vector<1x1024xf32> to vector<20x1024xf32>
    %broadcast_in_dim3A_325 = vector.broadcast %jit3A_322 : f32 to vector<20x1024xf32>
    %select_n3A_326 = arith.select %eq3A_320, %broadcast_in_dim3A_324, %broadcast_in_dim3A_325 : vector<20x1024xi1>, vector<20x1024xf32>
    %add3A_327 = arith.addf %add3A_317, %select_n3A_326 : vector<20x1024xf32>
    %slice3A_328 = vector.extract_strided_slice %get3A_299 {offsets = [3, 0], sizes = [1, 1024], strides = [1, 1]} : vector<20x1024xi32> to vector<1x1024xi32>
    %eq3A_329 = vector.broadcast %slice3A_328 : vector<1x1024xi32> to vector<20x1024xi32>
    %eq3A_330 = arith.cmpi eq, %get3A_299, %eq3A_329 : vector<20x1024xi32>
    %slice3A_331 = vector.extract_strided_slice %div3A_296 {offsets = [3, 0], sizes = [1, 1024], strides = [1, 1]} : vector<20x1024xf32> to vector<1x1024xf32>
    %jit3A_332 = arith.constant 0.000000e+00 : f32
    %broadcast_in_dim3A_333 = vector.shape_cast %slice3A_331 : vector<1x1024xf32> to vector<1x1024xf32>
    %broadcast_in_dim3A_334 = vector.broadcast %broadcast_in_dim3A_333 : vector<1x1024xf32> to vector<20x1024xf32>
    %broadcast_in_dim3A_335 = vector.broadcast %jit3A_332 : f32 to vector<20x1024xf32>
    %select_n3A_336 = arith.select %eq3A_330, %broadcast_in_dim3A_334, %broadcast_in_dim3A_335 : vector<20x1024xi1>, vector<20x1024xf32>
    %add3A_337 = arith.addf %add3A_327, %select_n3A_336 : vector<20x1024xf32>
    %slice3A_338 = vector.extract_strided_slice %get3A_299 {offsets = [4, 0], sizes = [1, 1024], strides = [1, 1]} : vector<20x1024xi32> to vector<1x1024xi32>
    %eq3A_339 = vector.broadcast %slice3A_338 : vector<1x1024xi32> to vector<20x1024xi32>
    %eq3A_340 = arith.cmpi eq, %get3A_299, %eq3A_339 : vector<20x1024xi32>
    %slice3A_341 = vector.extract_strided_slice %div3A_296 {offsets = [4, 0], sizes = [1, 1024], strides = [1, 1]} : vector<20x1024xf32> to vector<1x1024xf32>
    %jit3A_342 = arith.constant 0.000000e+00 : f32
    %broadcast_in_dim3A_343 = vector.shape_cast %slice3A_341 : vector<1x1024xf32> to vector<1x1024xf32>
    %broadcast_in_dim3A_344 = vector.broadcast %broadcast_in_dim3A_343 : vector<1x1024xf32> to vector<20x1024xf32>
    %broadcast_in_dim3A_345 = vector.broadcast %jit3A_342 : f32 to vector<20x1024xf32>
    %select_n3A_346 = arith.select %eq3A_340, %broadcast_in_dim3A_344, %broadcast_in_dim3A_345 : vector<20x1024xi1>, vector<20x1024xf32>
    %add3A_347 = arith.addf %add3A_337, %select_n3A_346 : vector<20x1024xf32>
    %slice3A_348 = vector.extract_strided_slice %get3A_299 {offsets = [5, 0], sizes = [1, 1024], strides = [1, 1]} : vector<20x1024xi32> to vector<1x1024xi32>
    %eq3A_349 = vector.broadcast %slice3A_348 : vector<1x1024xi32> to vector<20x1024xi32>
    %eq3A_350 = arith.cmpi eq, %get3A_299, %eq3A_349 : vector<20x1024xi32>
    %slice3A_351 = vector.extract_strided_slice %div3A_296 {offsets = [5, 0], sizes = [1, 1024], strides = [1, 1]} : vector<20x1024xf32> to vector<1x1024xf32>
    %jit3A_352 = arith.constant 0.000000e+00 : f32
    %broadcast_in_dim3A_353 = vector.shape_cast %slice3A_351 : vector<1x1024xf32> to vector<1x1024xf32>
    %broadcast_in_dim3A_354 = vector.broadcast %broadcast_in_dim3A_353 : vector<1x1024xf32> to vector<20x1024xf32>
    %broadcast_in_dim3A_355 = vector.broadcast %jit3A_352 : f32 to vector<20x1024xf32>
    %select_n3A_356 = arith.select %eq3A_350, %broadcast_in_dim3A_354, %broadcast_in_dim3A_355 : vector<20x1024xi1>, vector<20x1024xf32>
    %add3A_357 = arith.addf %add3A_347, %select_n3A_356 : vector<20x1024xf32>
    %slice3A_358 = vector.extract_strided_slice %get3A_299 {offsets = [6, 0], sizes = [1, 1024], strides = [1, 1]} : vector<20x1024xi32> to vector<1x1024xi32>
    %eq3A_359 = vector.broadcast %slice3A_358 : vector<1x1024xi32> to vector<20x1024xi32>
    %eq3A_360 = arith.cmpi eq, %get3A_299, %eq3A_359 : vector<20x1024xi32>
    %slice3A_361 = vector.extract_strided_slice %div3A_296 {offsets = [6, 0], sizes = [1, 1024], strides = [1, 1]} : vector<20x1024xf32> to vector<1x1024xf32>
    %jit3A_362 = arith.constant 0.000000e+00 : f32
    %broadcast_in_dim3A_363 = vector.shape_cast %slice3A_361 : vector<1x1024xf32> to vector<1x1024xf32>
    %broadcast_in_dim3A_364 = vector.broadcast %broadcast_in_dim3A_363 : vector<1x1024xf32> to vector<20x1024xf32>
    %broadcast_in_dim3A_365 = vector.broadcast %jit3A_362 : f32 to vector<20x1024xf32>
    %select_n3A_366 = arith.select %eq3A_360, %broadcast_in_dim3A_364, %broadcast_in_dim3A_365 : vector<20x1024xi1>, vector<20x1024xf32>
    %add3A_367 = arith.addf %add3A_357, %select_n3A_366 : vector<20x1024xf32>
    %slice3A_368 = vector.extract_strided_slice %get3A_299 {offsets = [7, 0], sizes = [1, 1024], strides = [1, 1]} : vector<20x1024xi32> to vector<1x1024xi32>
    %eq3A_369 = vector.broadcast %slice3A_368 : vector<1x1024xi32> to vector<20x1024xi32>
    %eq3A_370 = arith.cmpi eq, %get3A_299, %eq3A_369 : vector<20x1024xi32>
    %slice3A_371 = vector.extract_strided_slice %div3A_296 {offsets = [7, 0], sizes = [1, 1024], strides = [1, 1]} : vector<20x1024xf32> to vector<1x1024xf32>
    %jit3A_372 = arith.constant 0.000000e+00 : f32
    %broadcast_in_dim3A_373 = vector.shape_cast %slice3A_371 : vector<1x1024xf32> to vector<1x1024xf32>
    %broadcast_in_dim3A_374 = vector.broadcast %broadcast_in_dim3A_373 : vector<1x1024xf32> to vector<20x1024xf32>
    %broadcast_in_dim3A_375 = vector.broadcast %jit3A_372 : f32 to vector<20x1024xf32>
    %select_n3A_376 = arith.select %eq3A_370, %broadcast_in_dim3A_374, %broadcast_in_dim3A_375 : vector<20x1024xi1>, vector<20x1024xf32>
    %add3A_377 = arith.addf %add3A_367, %select_n3A_376 : vector<20x1024xf32>
    %slice3A_378 = vector.extract_strided_slice %get3A_299 {offsets = [8, 0], sizes = [1, 1024], strides = [1, 1]} : vector<20x1024xi32> to vector<1x1024xi32>
    %eq3A_379 = vector.broadcast %slice3A_378 : vector<1x1024xi32> to vector<20x1024xi32>
    %eq3A_380 = arith.cmpi eq, %get3A_299, %eq3A_379 : vector<20x1024xi32>
    %slice3A_381 = vector.extract_strided_slice %div3A_296 {offsets = [8, 0], sizes = [1, 1024], strides = [1, 1]} : vector<20x1024xf32> to vector<1x1024xf32>
    %jit3A_382 = arith.constant 0.000000e+00 : f32
    %broadcast_in_dim3A_383 = vector.shape_cast %slice3A_381 : vector<1x1024xf32> to vector<1x1024xf32>
    %broadcast_in_dim3A_384 = vector.broadcast %broadcast_in_dim3A_383 : vector<1x1024xf32> to vector<20x1024xf32>
    %broadcast_in_dim3A_385 = vector.broadcast %jit3A_382 : f32 to vector<20x1024xf32>
    %select_n3A_386 = arith.select %eq3A_380, %broadcast_in_dim3A_384, %broadcast_in_dim3A_385 : vector<20x1024xi1>, vector<20x1024xf32>
    %add3A_387 = arith.addf %add3A_377, %select_n3A_386 : vector<20x1024xf32>
    %slice3A_388 = vector.extract_strided_slice %get3A_299 {offsets = [9, 0], sizes = [1, 1024], strides = [1, 1]} : vector<20x1024xi32> to vector<1x1024xi32>
    %eq3A_389 = vector.broadcast %slice3A_388 : vector<1x1024xi32> to vector<20x1024xi32>
    %eq3A_390 = arith.cmpi eq, %get3A_299, %eq3A_389 : vector<20x1024xi32>
    %slice3A_391 = vector.extract_strided_slice %div3A_296 {offsets = [9, 0], sizes = [1, 1024], strides = [1, 1]} : vector<20x1024xf32> to vector<1x1024xf32>
    %jit3A_392 = arith.constant 0.000000e+00 : f32
    %broadcast_in_dim3A_393 = vector.shape_cast %slice3A_391 : vector<1x1024xf32> to vector<1x1024xf32>
    %broadcast_in_dim3A_394 = vector.broadcast %broadcast_in_dim3A_393 : vector<1x1024xf32> to vector<20x1024xf32>
    %broadcast_in_dim3A_395 = vector.broadcast %jit3A_392 : f32 to vector<20x1024xf32>
    %select_n3A_396 = arith.select %eq3A_390, %broadcast_in_dim3A_394, %broadcast_in_dim3A_395 : vector<20x1024xi1>, vector<20x1024xf32>
    %add3A_397 = arith.addf %add3A_387, %select_n3A_396 : vector<20x1024xf32>
    %slice3A_398 = vector.extract_strided_slice %get3A_299 {offsets = [10, 0], sizes = [1, 1024], strides = [1, 1]} : vector<20x1024xi32> to vector<1x1024xi32>
    %eq3A_399 = vector.broadcast %slice3A_398 : vector<1x1024xi32> to vector<20x1024xi32>
    %eq3A_400 = arith.cmpi eq, %get3A_299, %eq3A_399 : vector<20x1024xi32>
    %slice3A_401 = vector.extract_strided_slice %div3A_296 {offsets = [10, 0], sizes = [1, 1024], strides = [1, 1]} : vector<20x1024xf32> to vector<1x1024xf32>
    %jit3A_402 = arith.constant 0.000000e+00 : f32
    %broadcast_in_dim3A_403 = vector.shape_cast %slice3A_401 : vector<1x1024xf32> to vector<1x1024xf32>
    %broadcast_in_dim3A_404 = vector.broadcast %broadcast_in_dim3A_403 : vector<1x1024xf32> to vector<20x1024xf32>
    %broadcast_in_dim3A_405 = vector.broadcast %jit3A_402 : f32 to vector<20x1024xf32>
    %select_n3A_406 = arith.select %eq3A_400, %broadcast_in_dim3A_404, %broadcast_in_dim3A_405 : vector<20x1024xi1>, vector<20x1024xf32>
    %add3A_407 = arith.addf %add3A_397, %select_n3A_406 : vector<20x1024xf32>
    %slice3A_408 = vector.extract_strided_slice %get3A_299 {offsets = [11, 0], sizes = [1, 1024], strides = [1, 1]} : vector<20x1024xi32> to vector<1x1024xi32>
    %eq3A_409 = vector.broadcast %slice3A_408 : vector<1x1024xi32> to vector<20x1024xi32>
    %eq3A_410 = arith.cmpi eq, %get3A_299, %eq3A_409 : vector<20x1024xi32>
    %slice3A_411 = vector.extract_strided_slice %div3A_296 {offsets = [11, 0], sizes = [1, 1024], strides = [1, 1]} : vector<20x1024xf32> to vector<1x1024xf32>
    %jit3A_412 = arith.constant 0.000000e+00 : f32
    %broadcast_in_dim3A_413 = vector.shape_cast %slice3A_411 : vector<1x1024xf32> to vector<1x1024xf32>
    %broadcast_in_dim3A_414 = vector.broadcast %broadcast_in_dim3A_413 : vector<1x1024xf32> to vector<20x1024xf32>
    %broadcast_in_dim3A_415 = vector.broadcast %jit3A_412 : f32 to vector<20x1024xf32>
    %select_n3A_416 = arith.select %eq3A_410, %broadcast_in_dim3A_414, %broadcast_in_dim3A_415 : vector<20x1024xi1>, vector<20x1024xf32>
    %add3A_417 = arith.addf %add3A_407, %select_n3A_416 : vector<20x1024xf32>
    %slice3A_418 = vector.extract_strided_slice %get3A_299 {offsets = [12, 0], sizes = [1, 1024], strides = [1, 1]} : vector<20x1024xi32> to vector<1x1024xi32>
    %eq3A_419 = vector.broadcast %slice3A_418 : vector<1x1024xi32> to vector<20x1024xi32>
    %eq3A_420 = arith.cmpi eq, %get3A_299, %eq3A_419 : vector<20x1024xi32>
    %slice3A_421 = vector.extract_strided_slice %div3A_296 {offsets = [12, 0], sizes = [1, 1024], strides = [1, 1]} : vector<20x1024xf32> to vector<1x1024xf32>
    %jit3A_422 = arith.constant 0.000000e+00 : f32
    %broadcast_in_dim3A_423 = vector.shape_cast %slice3A_421 : vector<1x1024xf32> to vector<1x1024xf32>
    %broadcast_in_dim3A_424 = vector.broadcast %broadcast_in_dim3A_423 : vector<1x1024xf32> to vector<20x1024xf32>
    %broadcast_in_dim3A_425 = vector.broadcast %jit3A_422 : f32 to vector<20x1024xf32>
    %select_n3A_426 = arith.select %eq3A_420, %broadcast_in_dim3A_424, %broadcast_in_dim3A_425 : vector<20x1024xi1>, vector<20x1024xf32>
    %add3A_427 = arith.addf %add3A_417, %select_n3A_426 : vector<20x1024xf32>
    %slice3A_428 = vector.extract_strided_slice %get3A_299 {offsets = [13, 0], sizes = [1, 1024], strides = [1, 1]} : vector<20x1024xi32> to vector<1x1024xi32>
    %eq3A_429 = vector.broadcast %slice3A_428 : vector<1x1024xi32> to vector<20x1024xi32>
    %eq3A_430 = arith.cmpi eq, %get3A_299, %eq3A_429 : vector<20x1024xi32>
    %slice3A_431 = vector.extract_strided_slice %div3A_296 {offsets = [13, 0], sizes = [1, 1024], strides = [1, 1]} : vector<20x1024xf32> to vector<1x1024xf32>
    %jit3A_432 = arith.constant 0.000000e+00 : f32
    %broadcast_in_dim3A_433 = vector.shape_cast %slice3A_431 : vector<1x1024xf32> to vector<1x1024xf32>
    %broadcast_in_dim3A_434 = vector.broadcast %broadcast_in_dim3A_433 : vector<1x1024xf32> to vector<20x1024xf32>
    %broadcast_in_dim3A_435 = vector.broadcast %jit3A_432 : f32 to vector<20x1024xf32>
    %select_n3A_436 = arith.select %eq3A_430, %broadcast_in_dim3A_434, %broadcast_in_dim3A_435 : vector<20x1024xi1>, vector<20x1024xf32>
    %add3A_437 = arith.addf %add3A_427, %select_n3A_436 : vector<20x1024xf32>
    %slice3A_438 = vector.extract_strided_slice %get3A_299 {offsets = [14, 0], sizes = [1, 1024], strides = [1, 1]} : vector<20x1024xi32> to vector<1x1024xi32>
    %eq3A_439 = vector.broadcast %slice3A_438 : vector<1x1024xi32> to vector<20x1024xi32>
    %eq3A_440 = arith.cmpi eq, %get3A_299, %eq3A_439 : vector<20x1024xi32>
    %slice3A_441 = vector.extract_strided_slice %div3A_296 {offsets = [14, 0], sizes = [1, 1024], strides = [1, 1]} : vector<20x1024xf32> to vector<1x1024xf32>
    %jit3A_442 = arith.constant 0.000000e+00 : f32
    %broadcast_in_dim3A_443 = vector.shape_cast %slice3A_441 : vector<1x1024xf32> to vector<1x1024xf32>
    %broadcast_in_dim3A_444 = vector.broadcast %broadcast_in_dim3A_443 : vector<1x1024xf32> to vector<20x1024xf32>
    %broadcast_in_dim3A_445 = vector.broadcast %jit3A_442 : f32 to vector<20x1024xf32>
    %select_n3A_446 = arith.select %eq3A_440, %broadcast_in_dim3A_444, %broadcast_in_dim3A_445 : vector<20x1024xi1>, vector<20x1024xf32>
    %add3A_447 = arith.addf %add3A_437, %select_n3A_446 : vector<20x1024xf32>
    %slice3A_448 = vector.extract_strided_slice %get3A_299 {offsets = [15, 0], sizes = [1, 1024], strides = [1, 1]} : vector<20x1024xi32> to vector<1x1024xi32>
    %eq3A_449 = vector.broadcast %slice3A_448 : vector<1x1024xi32> to vector<20x1024xi32>
    %eq3A_450 = arith.cmpi eq, %get3A_299, %eq3A_449 : vector<20x1024xi32>
    %slice3A_451 = vector.extract_strided_slice %div3A_296 {offsets = [15, 0], sizes = [1, 1024], strides = [1, 1]} : vector<20x1024xf32> to vector<1x1024xf32>
    %jit3A_452 = arith.constant 0.000000e+00 : f32
    %broadcast_in_dim3A_453 = vector.shape_cast %slice3A_451 : vector<1x1024xf32> to vector<1x1024xf32>
    %broadcast_in_dim3A_454 = vector.broadcast %broadcast_in_dim3A_453 : vector<1x1024xf32> to vector<20x1024xf32>
    %broadcast_in_dim3A_455 = vector.broadcast %jit3A_452 : f32 to vector<20x1024xf32>
    %select_n3A_456 = arith.select %eq3A_450, %broadcast_in_dim3A_454, %broadcast_in_dim3A_455 : vector<20x1024xi1>, vector<20x1024xf32>
    %add3A_457 = arith.addf %add3A_447, %select_n3A_456 : vector<20x1024xf32>
    %slice3A_458 = vector.extract_strided_slice %get3A_299 {offsets = [16, 0], sizes = [1, 1024], strides = [1, 1]} : vector<20x1024xi32> to vector<1x1024xi32>
    %eq3A_459 = vector.broadcast %slice3A_458 : vector<1x1024xi32> to vector<20x1024xi32>
    %eq3A_460 = arith.cmpi eq, %get3A_299, %eq3A_459 : vector<20x1024xi32>
    %slice3A_461 = vector.extract_strided_slice %div3A_296 {offsets = [16, 0], sizes = [1, 1024], strides = [1, 1]} : vector<20x1024xf32> to vector<1x1024xf32>
    %jit3A_462 = arith.constant 0.000000e+00 : f32
    %broadcast_in_dim3A_463 = vector.shape_cast %slice3A_461 : vector<1x1024xf32> to vector<1x1024xf32>
    %broadcast_in_dim3A_464 = vector.broadcast %broadcast_in_dim3A_463 : vector<1x1024xf32> to vector<20x1024xf32>
    %broadcast_in_dim3A_465 = vector.broadcast %jit3A_462 : f32 to vector<20x1024xf32>
    %select_n3A_466 = arith.select %eq3A_460, %broadcast_in_dim3A_464, %broadcast_in_dim3A_465 : vector<20x1024xi1>, vector<20x1024xf32>
    %add3A_467 = arith.addf %add3A_457, %select_n3A_466 : vector<20x1024xf32>
    %slice3A_468 = vector.extract_strided_slice %get3A_299 {offsets = [17, 0], sizes = [1, 1024], strides = [1, 1]} : vector<20x1024xi32> to vector<1x1024xi32>
    %eq3A_469 = vector.broadcast %slice3A_468 : vector<1x1024xi32> to vector<20x1024xi32>
    %eq3A_470 = arith.cmpi eq, %get3A_299, %eq3A_469 : vector<20x1024xi32>
    %slice3A_471 = vector.extract_strided_slice %div3A_296 {offsets = [17, 0], sizes = [1, 1024], strides = [1, 1]} : vector<20x1024xf32> to vector<1x1024xf32>
    %jit3A_472 = arith.constant 0.000000e+00 : f32
    %broadcast_in_dim3A_473 = vector.shape_cast %slice3A_471 : vector<1x1024xf32> to vector<1x1024xf32>
    %broadcast_in_dim3A_474 = vector.broadcast %broadcast_in_dim3A_473 : vector<1x1024xf32> to vector<20x1024xf32>
    %broadcast_in_dim3A_475 = vector.broadcast %jit3A_472 : f32 to vector<20x1024xf32>
    %select_n3A_476 = arith.select %eq3A_470, %broadcast_in_dim3A_474, %broadcast_in_dim3A_475 : vector<20x1024xi1>, vector<20x1024xf32>
    %add3A_477 = arith.addf %add3A_467, %select_n3A_476 : vector<20x1024xf32>
    %slice3A_478 = vector.extract_strided_slice %get3A_299 {offsets = [18, 0], sizes = [1, 1024], strides = [1, 1]} : vector<20x1024xi32> to vector<1x1024xi32>
    %eq3A_479 = vector.broadcast %slice3A_478 : vector<1x1024xi32> to vector<20x1024xi32>
    %eq3A_480 = arith.cmpi eq, %get3A_299, %eq3A_479 : vector<20x1024xi32>
    %slice3A_481 = vector.extract_strided_slice %div3A_296 {offsets = [18, 0], sizes = [1, 1024], strides = [1, 1]} : vector<20x1024xf32> to vector<1x1024xf32>
    %jit3A_482 = arith.constant 0.000000e+00 : f32
    %broadcast_in_dim3A_483 = vector.shape_cast %slice3A_481 : vector<1x1024xf32> to vector<1x1024xf32>
    %broadcast_in_dim3A_484 = vector.broadcast %broadcast_in_dim3A_483 : vector<1x1024xf32> to vector<20x1024xf32>
    %broadcast_in_dim3A_485 = vector.broadcast %jit3A_482 : f32 to vector<20x1024xf32>
    %select_n3A_486 = arith.select %eq3A_480, %broadcast_in_dim3A_484, %broadcast_in_dim3A_485 : vector<20x1024xi1>, vector<20x1024xf32>
    %add3A_487 = arith.addf %add3A_477, %select_n3A_486 : vector<20x1024xf32>
    %slice3A_488 = vector.extract_strided_slice %get3A_299 {offsets = [19, 0], sizes = [1, 1024], strides = [1, 1]} : vector<20x1024xi32> to vector<1x1024xi32>
    %eq3A_489 = vector.broadcast %slice3A_488 : vector<1x1024xi32> to vector<20x1024xi32>
    %eq3A_490 = arith.cmpi eq, %get3A_299, %eq3A_489 : vector<20x1024xi32>
    %slice3A_491 = vector.extract_strided_slice %div3A_296 {offsets = [19, 0], sizes = [1, 1024], strides = [1, 1]} : vector<20x1024xf32> to vector<1x1024xf32>
    %jit3A_492 = arith.constant 0.000000e+00 : f32
    %broadcast_in_dim3A_493 = vector.shape_cast %slice3A_491 : vector<1x1024xf32> to vector<1x1024xf32>
    %broadcast_in_dim3A_494 = vector.broadcast %broadcast_in_dim3A_493 : vector<1x1024xf32> to vector<20x1024xf32>
    %broadcast_in_dim3A_495 = vector.broadcast %jit3A_492 : f32 to vector<20x1024xf32>
    %select_n3A_496 = arith.select %eq3A_490, %broadcast_in_dim3A_494, %broadcast_in_dim3A_495 : vector<20x1024xi1>, vector<20x1024xf32>
    %add3A_497 = arith.addf %add3A_487, %select_n3A_496 : vector<20x1024xf32>
    %swap3A = arith.constant 0 : index
    %swap3A_498 = arith.constant 0 : index
    %swap3A_499 = vector.load %arg7[%swap3A, %swap3A_498] : memref<20x1024xf32, #tpu.memory_space<vmem>>, vector<20x1024xf32>
    tpu.vector_store %arg7[%swap3A, %swap3A_498], %add3A_497 {strides = array<i32>} : memref<20x1024xf32, #tpu.memory_space<vmem>>, vector<20x1024xf32>,
    %swap3A_500 = arith.constant 0 : index
    %swap3A_501 = arith.constant 0 : index
    %swap3A_502 = vector.load %arg8[%swap3A_500, %swap3A_501] : memref<20x1024xi32, #tpu.memory_space<vmem>>, vector<20x1024xi32>
    tpu.vector_store %arg8[%swap3A_500, %swap3A_501], %get3A_299 {strides = array<i32>} : memref<20x1024xi32, #tpu.memory_space<vmem>>, vector<20x1024xi32>,
    return
  }
}

</mosaic_0001>

<sc_bundles>
// kernel: kernel.4.cloned.1.call-start
scs
__scs_entry_jumppad:
0x0: {  	(pc) =	sbr.rel $0x88, $3  }
0x1: {  	(tag) =	ssettag $0x0;
	lr =	simm.s32 $0x1  }
0x2: {  	[smem:$0x3F9A] =	sst lr;
	_ =	strace $0xD0000000  }
0x3: {  	_ = 	snop  }
0x4: {  	_ = 	snop  }
0x5: {  	_ = 	snop  }
0x6: {  	_ = 	snop  }
0x7: {  	_ = 	snop  }
__scs_overlays_trampoline_lowered:
0x8: {  	[smem:$0x3FA9] =	sst s0  }
0x9: {  	[smem:$0x3FAA] =	sst s1  }
0xa: {  	[smem:$0x3FAB] =	sst s2  }
0xb: {  	[smem:$0x3FAC] =	sst s3  }
0xc: {  	[smem:$0x3FAD] =	sst s4  }
0xd: {  	[smem:$0x3FAE] =	sst s5  }
0xe: {  	[smem:$0x3FAF] =	sst s6  }
0xf: {  	[smem:$0x3FB0] =	sst s7  }
0x10: {  	[smem:$0x3FB1] =	sst s8  }
0x11: {  	[smem:$0x3FB2] =	sst s9;
	s0 =	simm.s32 @!p0 $0x0  }
0x12: {  	s1 =	sld [smem:$0x3F98];
	s0 =	simm.s32 @p0 $0x1  }
0x13: {  	[smem:$0x3FB3] =	sst s0;
	s0 =	simm.s32 @!p1 $0x0  }
0x14: {  	s2 =	sld [smem:$0x3F97];
	s0 =	simm.s32 @p1 $0x1  }
0x15: {  	[smem:$0x3FB4] =	sst s0;
	s0 =	simm.s32 @!p2 $0x0  }
0x16: {  	s3 =	sld [smem:$0x3FDB];
	s0 =	simm.s32 @p2 $0x1  }
0x17: {  	s4 =	simm.s32 $0x1BF5;
	[smem:$0x3FB6] =	sst s0  }
0x18: {  	s0 =	sld [smem:$0x3F99];
	_ =	swait.ge [sflag:s4], $0x0  }
0x19: {  	s7 =	sld [smem:$0x3F9A]  }
0x1a: {  	s8 =	sadd.s32 $0xFFFFE003, lr  }
0x1b: {  	s9 =	sadd.s32 $0xFFFFFEF7, lr;
	s5 =	simm.s32 $0xFFFFFFFF;
	p2 =	slt.u32 s8, $0xFFFFF086  }
0x1c: {  	p1 =	slt.u32 s9, $0xF7A;
	s5 =	simm.s32 @!p2 $0x0  }
0x1d: {  	s5 =	simm.s32 @p1 $0x1;
	p0 =	seq.s32 s7, s2  }
0x1e: {  	s7 =	smul.u32 @!p0 $0xF7A, s2;
	p2 =	seq.s32 @!p0 s5, $0x0  }
0x1f: {  	s9 =	smul.u32 $0xF7A, s1;
	s8 =	simm.s32 @!p0 $0x1BF5;
	p2 =	por !p2, p0  }
0x20: {  	[sflag:s8] =	ssyncset.s32 @!p0 $0xFFFFF086;
	s6 =	sadd.s32 @!p0 s3, s7;
	s7 =	simm.s32 @!p0 $0x108  }
0x21: {  	s3 =	sadd.s32 s3, s9;
	s6 =	sadd.s32 @!p0 $0x88, s6;
	s7 =	simm.s32 @p2 $0x1082  }
0x22: {  	[simem:s7], [sflag:s8] =	dma.local @!p0 [hbm:s6], $0xF7A  }
0x23: {  	s9 =	sor.u32 $0xD0000000, s2;
	s6 =	simm.s32 $0x108;
	_ =	swait.ge @!p0 [sflag:s8], $0x0  }
0x24: {  	s3 =	sadd.s32 $0x88, s3;
	s6 =	simm.s32 @!p1 $0x1082;
	[sflag:s4] =	ssyncset.s32 $0xFFFFF086  }
0x25: {  	[simem:s6], [sflag:s4] =	dma.local [hbm:s3], $0xF7A  }
0x26: {  	[smem:$0x3F9A] =	sst s1;
	(tag) =	ssettag s2;
	_ =	strace s9  }
0x27: {  	s1 =	sld [smem:$0x3FAA]  }
0x28: {  	s2 =	sld [smem:$0x3FAB]  }
0x29: {  	s4 =	sld [smem:$0x3FAD]  }
0x2a: {  	p0 =	seq.s32 s5, $0x0;
	s5 =	sld [smem:$0x3FAE]  }
0x2b: {  	s6 =	sld [smem:$0x3FAF]  }
0x2c: {  	s7 =	sld [smem:$0x3FB0]  }
0x2d: {  	s3 =	simm.s32 $0x108;
	s8 =	sld [smem:$0x3FB1]  }
0x2e: {  	s3 =	simm.s32 @!p0 $0x1082;
	s9 =	sld [smem:$0x3FB2]  }
0x2f: {  	lr =	sadd.s32 s0, s3;
	s0 =	sld [smem:$0x3FA9]  }
0x30: {  	s3 =	sld [smem:$0x3FAC]  }
0x31: {  	[smem:$0x3FB5] =	sst s10  }
0x32: {  	s10 =	sld [smem:$0x3FB3];
	_ =	sdelay $0x3  }
0x33: {  	p0 =	seq.s32 s10, $0x1;
	s10 =	sld [smem:$0x3FB5];
	_ =	sdelay $0x3  }
0x34: {  	[smem:$0x3FB5] =	sst s10  }
0x35: {  	s10 =	sld [smem:$0x3FB4];
	_ =	sdelay $0x3  }
0x36: {  	p1 =	seq.s32 s10, $0x1;
	s10 =	sld [smem:$0x3FB5];
	_ =	sdelay $0x3  }
0x37: {  	[smem:$0x3FB5] =	sst s10  }
0x38: {  	s10 =	sld [smem:$0x3FB6]  }
0x39: {  	_ = 	snop;
	(pc) =	sbr.ind lr, $3  }
0x3a: {  	_ = 	snop  }
0x3b: {  	_ = 	snop  }
0x3c: {  	p2 =	seq.s32 s10, $0x1;
	s10 =	sld [smem:$0x3FB5]  }
0x3d: {  	_ =	shalt  }
0x3e: {  	_ =	shalt  }
0x3f: {  	_ =	shalt  }
0x40: {  	_ =	shalt  }
0x41: {  	_ =	shalt  }
0x42: {  	_ =	shalt  }
0x43: {  	_ =	shalt  }
0x44: {  	_ =	shalt  }
0x45: {  	_ =	shalt  }
0x46: {  	_ =	shalt  }
0x47: {  	_ =	shalt  }
0x48: {  	_ =	shalt  }
0x49: {  	_ =	shalt  }
0x4a: {  	_ =	shalt  }
0x4b: {  	_ =	shalt  }
0x4c: {  	_ =	shalt  }
0x4d: {  	_ =	shalt  }
0x4e: {  	_ =	shalt  }
0x4f: {  	_ =	shalt  }
0x50: {  	_ =	shalt  }
0x51: {  	_ =	shalt  }
0x52: {  	_ =	shalt  }
0x53: {  	_ =	shalt  }
0x54: {  	_ =	shalt  }
0x55: {  	_ =	shalt  }
0x56: {  	_ =	shalt  }
0x57: {  	_ =	shalt  }
0x58: {  	_ =	shalt  }
0x59: {  	_ =	shalt  }
0x5a: {  	_ =	shalt  }
0x5b: {  	_ =	shalt  }
0x5c: {  	_ =	shalt  }
0x5d: {  	_ =	shalt  }
0x5e: {  	_ =	shalt  }
0x5f: {  	_ =	shalt  }
0x60: {  	_ =	shalt  }
0x61: {  	_ =	shalt  }
0x62: {  	_ =	shalt  }
0x63: {  	_ =	shalt  }
0x64: {  	_ =	shalt  }
0x65: {  	_ =	shalt  }
0x66: {  	_ =	shalt  }
0x67: {  	_ =	shalt  }
0x68: {  	_ =	shalt  }
0x69: {  	_ =	shalt  }
0x6a: {  	_ =	shalt  }
0x6b: {  	_ =	shalt  }
0x6c: {  	_ =	shalt  }
0x6d: {  	_ =	shalt  }
0x6e: {  	_ =	shalt  }
0x6f: {  	_ =	shalt  }
0x70: {  	_ =	shalt  }
0x71: {  	_ =	shalt  }
0x72: {  	_ =	shalt  }
0x73: {  	_ =	shalt  }
0x74: {  	_ =	shalt  }
0x75: {  	_ =	shalt  }
0x76: {  	_ =	shalt  }
0x77: {  	_ =	shalt  }
0x78: {  	_ =	shalt  }
0x79: {  	_ =	shalt  }
0x7a: {  	_ =	shalt  }
0x7b: {  	_ =	shalt  }
0x7c: {  	_ =	shalt  }
0x7d: {  	_ =	shalt  }
0x7e: {  	_ =	shalt  }
0x7f: {  	_ =	shalt  }
0x80: {  	_ =	shalt  }
0x81: {  	_ =	shalt  }
0x82: {  	_ =	shalt  }
0x83: {  	_ =	shalt  }
0x84: {  	_ =	shalt  }
0x85: {  	_ =	shalt  }
0x86: {  	_ =	shalt  }
0x87: {  	_ =	shalt  }
.Lfunc_end0:
.L_simem_size_0:
called_computation_lowered:
.L_overlay_start_0:
0x88: {  	s2 =	sld [smem:$0x3FD9]  }
0x89: {  	s3 =	sld [smem:$0x3FFE];
	_ =	sdelay $0x1  }
0x8a: {  	s1 =	srdreg.scid  }
0x8b: {  	s0 =	sand.u32 $0x1, s1  }
0x8c: {  	s17 =	sshll.u32 s0, $0xA;
	s2 =	sadd.s32 s3, s2  }
0x8d: {  	s2 =	sadd.s32 s2, s17  }
0x8e: {  	[smem:$0x3FC1] =	sst s2  }
0x8f: {  	_ = 	snop  }
0x90: {  	s2 =	sld [smem:$0x3FD0];
	(tm) =	ssettm $0x1  }
0x91: {  	s18 =	sld [smem:$0x3FFB];
	_ =	sdelay $0x3  }
0x92: {  	_ =	strace s18  }
0x93: {  	s3 =	sld [smem:$0x3FFC];
	_ =	sdelay $0x3  }
0x94: {  	_ =	strace s3  }
0x95: {  	s3 =	sld [smem:$0x3FFD];
	_ =	sdelay $0x3  }
0x96: {  	_ =	strace s3  }
0x97: {  	_ =	strace $0x8FFFFFFF  }
0x98: {  	s19 =	sld [smem:$0x3FDB];
	_ =	sdelay $0x1  }
0x99: {  	s4 =	simm.s32 $_scs_section_size  }
0x9a: {  	s5 =	simm.s32 $_size__tile_overlayer_lowered;
	s6 =	simm.s32 $_tile_overlayer_lowered  }
0x9b: {  	s22 =	simm.s32 $0x1BFF;
	s21 =	sshll.u32 s6, $0x1;
	s3 =	sadd.s32 s4, s19  }
0x9c: {  	s7 =	simm.s32 $0x0;
	s20 =	sshll.u32 s5, $0x1;
	s5 =	sadd.s32 s21, s3  }
0x9d: {  	[timem:s7], [sflag:s22] =	dma.local [hbm:s5], s20  }
0x9e: {  	_ =	swait.ge [sflag:s22], s20  }
0x9f: {  	s4 =	ssub.s32 $0x0, s20;
	[sflag:s22] =	ssyncset.done $0x0  }
0xa0: {  	[sflag:s22] =	ssyncadd.s32 s4;
	_ =	sdelay $0x1  }
0xa1: {  	s23 =	simm.s32 $0x1B8B  }
0xa2: {  	_ =	swait.ge [sflag:s23], $0x1  }
0xa3: {  	[sflag:s23] =	ssyncset.done $0x0  }
0xa4: {  	s25 =	simm.s32 $0x1B8E;
	s24 =	sld [smem:$0x3FFE];
	[sflag:s23] =	ssyncadd.s32 $0xFFFFFFFF  }
0xa5: {  	s26 =	simm.s32 $execute0_lowered;
	[smem:$0x3FD2] =	sst s25  }
0xa6: {  	s5 =	sshll.u32 s26, $0x1;
	_ =	strace $0x80000046;
	[dreg:$0x1] =	wrdreg $0xFFFFFFFF  }
0xa7: {  	s28 =	simm.s32 $_size_execute0_lowered;
	s3 =	sadd.s32 s3, s5;
	[dreg:$0x0] =	wrdreg $0x0  }
0xa8: {  	s5 =	sshll.u32 s28, $0x1;
	[dreg:$0x2] =	wrdreg s3  }
0xa9: {  	[dreg:$0x3] =	wrdreg s5  }
0xaa: {  	[dreg:$0x4] =	wrdreg $0xC0  }
0xab: {  	_ =	task [dreg:s7], $0x5FFFF  }
0xac: {  	[dreg:$0x1] =	wrdreg $0xFFFFFFFF  }
0xad: {  	[dreg:$0x0] =	wrdreg $0x60  }
0xae: {  	[dreg:$0x2] =	wrdreg s24  }
0xaf: {  	[dreg:$0x3] =	wrdreg s2  }
0xb0: {  	[dreg:$0x4] =	wrdreg $0x9  }
0xb1: {  	_ =	task.clear_ibuf [dreg:s7], $0x5FFFF;
	_ =	strace $0x90000046  }
0xb2: {  	s29 =	simm.s32 $0x9;
	_ =	strace $0x80000048  }
0xb3: {  	_ =	swait.ge [sflag:s29], $0x1  }
0xb4: {  	[sflag:s29] =	ssyncadd.s32 $0xFFFFFFFF  }
0xb5: {  	_ =	strace $0x90000048  }
0xb6: {  	_ =	sfence  }
0xb7: {  	s30 =	sld [smem:$0x0];
	_ =	sdelay $0x2  }
0xb8: {  	s31 =	sshll.u32 s1, $0xD;
	s1 =	sshrl.u32 s1, $0x2  }
0xb9: {  	s3 =	sand.u32 $0x4000, s31;
	s1 =	sadd.s32 s1, s30  }
0xba: {  	s0 =	sor.u32 s3, s0;
	s1 =	sshll.u32 s1, $0x11  }
0xbb: {  	s0 =	sor.u32 s1, s0  }
0xbc: {  	s0 =	sadd.s32 $0x8F2B, s0  }
0xbd: {  	[sflag:s0] =	ssyncadd.remote.s32 $0x1  }
0xbe: {  	_ =	sfence.sel $0xFFFF  }
0xbf: {  	[dreg:$0x0] =	wrdreg $0xFFFFFFFF;
	(pc) =	sbr.abs _section_cstart, $3  }
0xc0: {  	[dreg:$0x1] =	wrdreg $0xFFFFFFFF  }
0xc1: {  	_ =	task.clear_ibuf [dreg:s7], $0x2FFFF;
	_ =	strace $0x9FFFFFFF  }
0xc2: {  	(tm) =	ssettm $0x7FFFFFFF  }
0xc3: {  	_ =	shalt  }
tec
execute0_lowered:
.L_overlay_start_1:
0x0: {  	(tag) =	ssettag $0x1  }
0x1: {  	s0 =	rddreg [dreg:$0x0]  }
0x2: {  	s1 =	rddreg [dreg:$0x1];
	s3 =	simm.s32 $0x0;
	s4 =	stileid.u32  }
0x3: {  	s2 =	srdreg.scid;
	s15 =	simm.s32 $0x400;
	s16 =	simm.s32 $0x2000  }
0x4: {  	s18 =	simm.s32 $0x1400;
	s19 =	simm.s32 $0x3780;
	s20 =	simm.s32 $0x11780  }
0x5: {  	s21 =	simm.s32 $0x3;
	s22 =	simm.s32 $0x1;
	s23 =	simm.s32 $0x2  }
0x6: {  	s24 =	simm.s32 $0x0;
	[smem:$0x7FF] =	sst s3;
	s11 =	sshrl.u32 s4, $0x1  }
0x7: {  	s2 =	sand.u32 $0x1, s2;
	s4 =	sshll.u32 s4, $0x1;
	_ =	strace $0x80000047  }
0x8: {  	s5 =	sshll.u32 s11, $0x7;
	s6 =	ssub.s32 $0x2, s2;
	s4 =	sand.u32 $0x2, s4  }
0x9: {  	s10 =	sshll.u32 s11, $0xA;
	s8 =	sadd.s32 s5, s0;
	s2 =	sor.u32 s2, s4  }
0xa: {  	s29 =	sshrl.u32 s6, $0x1;
	s4 =	sadd.s32 $0x2E00, s0;
	s9 =	smul.u32 $0x186A000, s2  }
0xb: {  	s30 =	ssub.s32 s6, s29;
	s5 =	sadd.s32 $0x2200, s8;
	s2 =	smul.u32 $0x61A8, s2  }
0xc: {  	s6 =	sadd.s32 $0x2A00, s8;
	s7 =	sadd.s32 $0x1600, s8;
	s8 =	sadd.s32 $0x1E00, s8  }
.Ltmp0:
0xd: {  	s12 =	sor.u32 s10, s9;
	s11 =	sor.u32 s11, s2;
	(pc) =	sbr.rel .LBB2_1-.Ltmp0, $4  }
0xe: {  	s9 =	sshrl.u32 s12, $0x3;
	s10 =	sadd.s32 $0x70000, s12;
	s13 =	sadd.s32 $0x17A0000, s12  }
0xf: {  	s14 =	sadd.s32 $0x1810000, s12;
	s9 =	sadd.s32 s1, s9;
	s10 =	sshrl.u32 s10, $0x3  }
0x10: {  	v1 =	vlaneseq.u32;
	v2 =	vimm.s32 $0x0;
	s13 =	sshrl.u32 s13, $0x3;
	s31 =	sshrl.u32 s14, $0x3;
	s14 =	smax.u32 s30, $0x1  }
0x11: {  	v3 =	vimm.s32 $0xFFFFFFFF;
	v4 =	vimm.f32 $0.0e+00;
	v0 =	vmov s2;
	s10 =	sadd.s32 s1, s10;
	s12 =	sadd.s32 s1, s13;
	s13 =	sadd.s32 s1, s31  }
.LBB2_29:
0x12: {  	[hbm4b:s12+s15] =	stream.strided.scatter [tilespmem:s19], [sflag:$0x1], $0xE000, s16, s15, $0x38;
	[tilespmem:$0x1F780] =	vst v63  }
0x13: {  	_ =	swait.ge [sflag:s23], $0xE000  }
0x14: {  	[sflag:s23] =	ssyncset.done $0x0  }
0x15: {  	[sflag:s23] =	ssyncadd.s32 $0xFFFF2000  }
.LBB2_30:
0x16: {  	[hbm4b:s13+s15] =	stream.strided.scatter [tilespmem:s20], [sflag:$0x2], $0xB400, s16, s15, $0x38;
	[tilespmem:$0x1F780] =	vst v63  }
0x17: {  	s24 =	sadd.s32 $0x1, s24  }
0x18: {  	_ =	swait.ge [sflag:s22], $0xE000;
	p0 =	sne.s32 s24, s14  }
.Ltmp1:
0x19: {  	[sflag:s22] =	ssyncset.done $0x0;
	(pc) =	sbr.rel @!p0 .LBB2_31-.Ltmp1, $4  }
0x1a: {  	[sflag:s22] =	ssyncadd.s32 $0xFFFF2000  }
0x1b: {  	_ =	swait.ge [sflag:s23], $0xB400  }
0x1c: {  	[sflag:s23] =	ssyncset.done $0x0  }
0x1d: {  	[sflag:s23] =	ssyncadd.s32 $0xFFFF4C00  }
.LBB2_1:
0x1e: {  	[tilespmem:s3], [sflag:$0x3] =	stream.strided.gather [hbm4b:s5+s15], $0x800, s16, s15, $0x38;
	[tilespmem:$0x1F780] =	vst v63  }
0x1f: {  	s0 =	simm.s32 $0x800  }
0x20: {  	[tilespmem:s0], [sflag:$0x3] =	stream.linear.gather [hbm4b:s6+s3], $0x200, $0x38;
	[tilespmem:$0x1F780] =	vst v63  }
0x21: {  	s25 =	simm.s32 $0xC00  }
0x22: {  	[tilespmem:s25], [sflag:$0x3] =	stream.strided.gather [hbm4b:s7+s15], $0x800, s16, s15, $0x38;
	[tilespmem:$0x1F780] =	vst v63  }
0x23: {  	_ = 	snop  }
0x24: {  	[tilespmem:s18], [sflag:$0x3] =	stream.linear.gather [hbm4b:s8+s3], $0x200, $0x38;
	[tilespmem:$0x1F780] =	vst v63  }
0x25: {  	_ = 	snop  }
0x26: {  	[tilespmem:s19], [sflag:$0x3] =	stream.linear.gather [hbm4b:s4+s3], $0xE000, $0x38;
	[tilespmem:$0x1F780] =	vst v63  }
0x27: {  	_ = 	snop  }
0x28: {  	[tilespmem:s20], [sflag:$0x3] =	stream.linear.gather [hbm4b:s4+s3], $0xE000, $0x38;
	[tilespmem:$0x1F780] =	vst v63  }
0x29: {  	_ =	swait.ge [sflag:s21], $0xA00  }
0x2a: {  	[sflag:s21] =	ssyncset.done $0x0  }
0x2b: {  	[sflag:s21] =	ssyncadd.s32 $0xFFFFF600  }
0x2c: {  	_ =	swait.ge [sflag:s21], $0xA00  }
0x2d: {  	[sflag:s21] =	ssyncset.done $0x0  }
0x2e: {  	[sflag:s21] =	ssyncadd.s32 $0xFFFFF600  }
0x2f: {  	_ =	swait.ge [sflag:s21], $0xE000  }
0x30: {  	[sflag:s21] =	ssyncset.done $0x0  }
0x31: {  	[sflag:s21] =	ssyncadd.s32 $0xFFFF2000  }
0x32: {  	_ =	swait.ge [sflag:s21], $0xE000  }
0x33: {  	[sflag:s21] =	ssyncset.done $0x0  }
0x34: {  	[sflag:s21] =	ssyncadd.s32 $0xFFFF2000  }
0x35: {  	v5 =	vld [tilespmem:s3+$0x0];
	_ =	sdelay $0x4  }
0x36: {  	v5 =	vsub.s32 v5, v0  }
0x37: {  	vm0 =	vlt.u32 v5, $0x61A8  }
0x38: {  	v6 =	vsel vm0, $0x1, v2  }
0x39: {  	(xrf0) =	vadd.scan.msk.s32 $0xffff, v6;
	_ =	sdelay $0x2  }
0x3a: {  	s31 =	sand.u32 $0x70, s3  }
0x3b: {  	[tilespmem:s3+$0x1800] =	vst.msk vm0, v5;
	v5 =	vor.u32 s31, v1  }
0x3c: {  	[tilespmem:s3+$0x2280] =	vst.msk vm0, v5  }
0x3d: {  	v5 =	vld [tilespmem:s25+$0x0];
	v6, _, _ =	vpop (xrf0)  }
0x3e: {  	(v2sf) =	vpush v6, $0xF;
	_ =	sdelay $0x3  }
0x3f: {  	s26 =	simm.s32 $0x10;
	[tilespmem:s3+$0x2D00] =	vst.msk vm0, v5  }
0x40: {  	s28 =	simm.s32 $0x0;
	s2 =	simm.s32 $0x10;
	s0 =	simm.s32 $0x20;
	v5 =	vld [tilespmem:s26+$0x0]  }
.LBB2_2:
0x41: {  	p0 =	sne.s32 s0, $0x9F0;
	_ =	sdelay $0x3  }
0x42: {  	v5 =	vsub.s32 v5, v0  }
0x43: {  	vm0 =	vlt.u32 v5, $0x61A8  }
0x44: {  	v6 =	vsel vm0, $0x1, v2  }
0x45: {  	(xrf0) =	vadd.scan.msk.s32 $0xffff, v6;
	_ =	sdelay $0x1  }
0x46: {  	s17 =	spop (v2sf)  }
0x47: {  	s29 =	sand.u32 $0x70, s26;
	s26 =	smov.u32 s0;
	s28 =	sadd.s32 s28, s17  }
0x48: {  	v7 =	vor.u32 s29, v1;
	[tilespmem:s28+$0x1800] =	vst.msk vm0, v5  }
0x49: {  	s25 =	sadd.s32 $0x10, s25;
	[tilespmem:s28+$0x2280] =	vst.msk vm0, v7  }
0x4a: {  	v5 =	vld [tilespmem:s25+$0x0];
	v6, _, _ =	vpop (xrf0)  }
0x4b: {  	(v2sf) =	vpush v6, $0xF  }
.Ltmp2:
0x4c: {  	(pc) =	sbr.rel @p0 .LBB2_2-.Ltmp2, $3  }
0x4d: {  	_ =	sdelay $0x1  }
0x4e: {  	s2 =	sadd.s32 $0x10, s2;
	[tilespmem:s28+$0x2D00] =	vst.msk vm0, v5  }
0x4f: {  	s0 =	sadd.s32 $0x10, s0;
	v5 =	vld [tilespmem:s2+$0x0]  }
0x50: {  	_ =	sdelay $0x3  }
0x51: {  	v5 =	vsub.s32 v5, v0  }
0x52: {  	vm0 =	vlt.u32 v5, $0x61A8  }
0x53: {  	v6 =	vsel vm0, $0x1, v2  }
0x54: {  	(xrf0) =	vadd.scan.msk.s32 $0xffff, v6;
	_ =	sdelay $0x5  }
0x55: {  	v6, _, _ =	vpop (xrf0)  }
0x56: {  	(v2sf) =	vpush v6, $0xF;
	_ =	sdelay $0xd  }
0x57: {  	s0 =	spop (v2sf)  }
0x58: {  	s0 =	sadd.s32 s28, s0;
	s2 =	spop (v2sf)  }
0x59: {  	s2 =	sadd.s32 s0, s2  }
0x5a: {  	s17 =	sand.u32 $0x70, s26;
	s29 =	sadd.s32 $0xF, s2  }
0x5b: {  	s25 =	sadd.s32 $0x10, s25;
	[tilespmem:s0+$0x1800] =	vst.msk vm0, v5;
	v6 =	vor.u32 s17, v1;
	s30 =	sand.u32 $0xF, s29  }
0x5c: {  	[tilespmem:s0+$0x2280] =	vst.msk vm0, v6;
	s31 =	sshra.s32 s29, $0x1F;
	p1 =	slt.s32 s29, $0x1;
	p0 =	sne.s32 s30, $0x0  }
0x5d: {  	v5 =	vld [tilespmem:s25+$0x0];
	s25 =	sshrl.u32 s31, $0x1C;
	p0 =	por !p1, !p0  }
0x5e: {  	s17 =	sadd.s32 s25, s29;
	s25 =	simm.s32 $0x1;
	p0 =	por !p0, !p0  }
0x5f: {  	s17 =	sshra.s32 s17, $0x4;
	s25 =	simm.s32 @!p0 $0x0  }
0x60: {  	s25 =	ssub.s32 s17, s25  }
0x61: {  	p0 =	slt.s32 s25, $0x1  }
.Ltmp3:
0x62: {  	_ = 	snop;
	(pc) =	sbr.rel @p0 .LBB2_12-.Ltmp3, $3  }
0x63: {  	_ =	sdelay $0x1  }
0x64: {  	[tilespmem:s0+$0x2D00] =	vst.msk vm0, v5  }
0x65: {  	[tilespmem:s2+$0x1800] =	vst v3  }
0x66: {  	p2 =	sne.s32 s25, $0x1  }
.Ltmp4:
0x67: {  	_ = 	snop;
	(pc) =	sbr.rel @!p2 .LBB2_5-.Ltmp4, $3  }
0x68: {  	_ =	sdelay $0x1  }
0x69: {  	s26 =	simm.s32 $0x1800;
	s28 =	simm.s32 $0x2280  }
0x6a: {  	s29 =	simm.s32 $0x2D00;
	s30 =	sadd.s32 $0xFFFFFFFF, s25;
	p1 =	por $0x0, $0x0;
	v5 =	vld [tilespmem:s26+$0x0]  }
0x6b: {  	_ = 	snop  }
0x6c: {  	v6 =	vld [tilespmem:s28+$0x0];
	_ =	sdelay $0x2  }
0x6d: {  	v7 =	vadd.s32 $0x40000000, v5  }
0x6e: {  	vm0 =	vlt.u32 v7, $0x1C0;
	v7 =	vshll.u32 v5, $0x7  }
0x6f: {  	vm1 =	vlt.u32 v5, $0x1C0;
	v8 =	vand.u32 $0xFFFFFF80, v6;
	v9 =	vnsel vm0, $0x0, v7  }
0x70: {  	v5 =	vand.u32 $0x7F, v6;
	v7 =	vnsel vm1, $0x0, v7;
	v6 =	vadd.s32 v8, v9  }
0x71: {  	v7 =	vadd.s32 v8, v7;
	v6 =	vor.u32 v5, v6  }
0x72: {  	v63 =	vld [tilespmem:s29+$0x0];
	v5 =	vor.u32 v5, v7;
	_ =	sdelay $0x1  }
0x73: {  	p2 =	sne.s32 s30, $0x1  }
.Ltmp5:
0x74: {  	_ = 	snop;
	(pc) =	sbr.rel @!p2 .LBB2_7-.Ltmp5, $4  }
0x75: {  	[tilespmem:v6+s19+$0x0] =	vst.idx.msk vm0, v4  }
0x76: {  	s2 =	simm.s32 $0x1810;
	[tilespmem:v5+s19+$0x0] =	vst.idx.msk vm1, v63  }
0x77: {  	s17 =	sadd.s32 $0xFFFFFFFF, s30;
	v5 =	vld [tilespmem:s2+$0x0]  }
0x78: {  	s0 =	simm.s32 $0x2290;
	p1 =	por $0x1, $0x1;
	s31 =	simm.s32 $0x2D00  }
.LBB2_8:
0x79: {  	p2 =	sne.s32 s17, $0x1;
	v6 =	vld [tilespmem:s0+$0x0];
	_ =	sdelay $0x2  }
0x7a: {  	v7 =	vadd.s32 $0x40000000, v5  }
0x7b: {  	vm0 =	vlt.u32 v7, $0x1C0;
	v7 =	vshll.u32 v5, $0x7  }
0x7c: {  	vm1 =	vlt.u32 v5, $0x1C0;
	v8 =	vand.u32 $0xFFFFFF80, v6;
	v9 =	vnsel vm0, $0x0, v7  }
0x7d: {  	v5 =	vand.u32 $0x7F, v6;
	v7 =	vnsel vm1, $0x0, v7;
	v6 =	vadd.s32 v8, v9  }
0x7e: {  	s31 =	sadd.s32 $0x10, s31;
	v7 =	vadd.s32 v8, v7;
	v6 =	vor.u32 v5, v6  }
0x7f: {  	v5 =	vor.u32 v5, v7;
	v8 =	vld [tilespmem:s31+$0x0];
	_ =	sdelay $0x2  }
.Ltmp6:
0x80: {  	(pc) =	sbr.rel @p2 .LBB2_8-.Ltmp6, $4  }
0x81: {  	[tilespmem:v6+s19+$0x0] =	vst.idx.msk vm0, v4  }
0x82: {  	s2 =	sadd.s32 $0x10, s2;
	[tilespmem:v5+s19+$0x0] =	vst.idx.msk vm1, v8  }
0x83: {  	v5 =	vld [tilespmem:s2+$0x0]  }
0x84: {  	s17 =	sadd.s32 $0xFFFFFFFF, s17;
	s0 =	sadd.s32 $0x10, s0  }
.LBB2_9:
0x85: {  	v6 =	vld [tilespmem:s0+$0x0];
	_ =	sdelay $0x2  }
0x86: {  	v7 =	vadd.s32 $0x40000000, v5  }
0x87: {  	vm0 =	vlt.u32 v7, $0x1C0;
	v7 =	vshll.u32 v5, $0x7  }
0x88: {  	vm1 =	vlt.u32 v5, $0x1C0;
	v8 =	vand.u32 $0xFFFFFF80, v6;
	v9 =	vnsel vm0, $0x0, v7  }
0x89: {  	s0 =	sadd.s32 @p1 $0x10, s31;
	s2 =	simm.s32 $0x2D00;
	v5 =	vand.u32 $0x7F, v6;
	v7 =	vnsel vm1, $0x0, v7;
	v6 =	vadd.s32 v8, v9  }
0x8a: {  	s2 =	smov.u32 @p1 s0;
	v7 =	vadd.s32 v8, v7;
	v6 =	vor.u32 v5, v6  }
0x8b: {  	v8 =	vld [tilespmem:s2+$0x0];
	v5 =	vor.u32 v5, v7;
	_ =	sdelay $0x3  }
0x8c: {  	[tilespmem:v6+s19+$0x0] =	vst.idx.msk vm0, v4  }
0x8d: {  	[tilespmem:v5+s19+$0x0] =	vst.idx.msk vm1, v8  }
0x8e: {  	[hbm4b:s9+s15] =	stream.strided.scatter [tilespmem:s19], [sflag:$0x1], $0xE000, s16, s15, $0x38;
	[tilespmem:$0x1F780] =	vst v63  }
0x8f: {  	v5 =	vld [tilespmem:s26+$0x0]  }
0x90: {  	v6 =	vld [tilespmem:s28+$0x0];
	_ =	sdelay $0x4  }
0x91: {  	v7 =	vadd.s32 $0x40000000, v5;
	v8 =	vand.u32 $0xFFFFFF80, v6  }
0x92: {  	vm1 =	vlt.u32 v7, $0x1C0;
	v7 =	vshll.u32 v5, $0x7;
	v5 =	vadd.s32 $0xFFFFFE40, v5  }
0x93: {  	v63 =	vnsel vm1, $0x0, v7;
	vm0 =	vlt.u32 v5, $0x1C0;
	v5 =	vadd.s32 $0xFFFF2000, v7  }
0x94: {  	v6 =	vand.u32 $0x7F, v6;
	v9 =	vadd.s32 v8, v63;
	v5 =	vnsel vm0, $0x0, v5  }
0x95: {  	p1 =	seq.s32 s25, $0x1;
	v9 =	vor.u32 v6, v9;
	v7 =	vadd.s32 v8, v5  }
.Ltmp7:
0x96: {  	v5 =	vld [tilespmem:s29+$0x0];
	v6 =	vor.u32 v6, v7;
	(pc) =	sbr.rel @p1 .LBB2_11-.Ltmp7, $2  }
0x97: {  	_ =	sdelay $0x2  }
0x98: {  	[tilespmem:v9+s20+$0x0] =	vst.idx.msk vm1, v4  }
.LBB2_10:
0x99: {  	[tilespmem:v6+s20+$0x0] =	vst.idx.msk vm0, v5;
	s26 =	sadd.s32 $0x10, s26;
	s28 =	sadd.s32 $0x10, s28;
	s29 =	sadd.s32 $0x10, s29  }
0x9a: {  	p1 =	seq.s32 s30, $0x1;
	s30 =	sadd.s32 $0xFFFFFFFF, s30;
	v5 =	vld [tilespmem:s26+$0x0];
	_ =	sdelay $0x1  }
0x9b: {  	v6 =	vld [tilespmem:s28+$0x0];
	_ =	sdelay $0x2  }
0x9c: {  	v7 =	vadd.s32 $0x40000000, v5;
	v8 =	vadd.s32 $0xFFFFFE40, v5  }
0x9d: {  	v5 =	vshll.u32 v5, $0x7;
	vm1 =	vlt.u32 v7, $0x1C0;
	vm0 =	vlt.u32 v8, $0x1C0  }
0x9e: {  	v7 =	vand.u32 $0xFFFFFF80, v6;
	v8 =	vnsel vm1, $0x0, v5;
	v5 =	vadd.s32 $0xFFFF2000, v5  }
0x9f: {  	v6 =	vand.u32 $0x7F, v6;
	v8 =	vadd.s32 v7, v8;
	v5 =	vnsel vm0, $0x0, v5  }
0xa0: {  	v8 =	vor.u32 v6, v8;
	v7 =	vadd.s32 v7, v5  }
.Ltmp8:
0xa1: {  	v5 =	vld [tilespmem:s29+$0x0];
	v6 =	vor.u32 v6, v7;
	(pc) =	sbr.rel @!p1 .LBB2_10-.Ltmp8, $2  }
0xa2: {  	_ =	sdelay $0x2  }
0xa3: {  	[tilespmem:v8+s20+$0x0] =	vst.idx.msk vm1, v4  }
.LBB2_11:
0xa4: {  	_ = 	snop  }
.Ltmp9:
0xa5: {  	_ = 	snop;
	(pc) =	sbr.rel .LBB2_13-.Ltmp9, $2  }
0xa6: {  	_ =	sdelay $0x2  }
0xa7: {  	[tilespmem:v6+s20+$0x0] =	vst.idx.msk vm0, v5  }
.LBB2_12:
0xa8: {  	[hbm4b:s9+s15] =	stream.strided.scatter [tilespmem:s19], [sflag:$0x1], $0xE000, s16, s15, $0x38;
	[tilespmem:$0x1F780] =	vst v63  }
.LBB2_13:
.Ltmp10:
0xa9: {  	(pc) =	sbr.rel .LBB2_14-.Ltmp10, $3  }
0xaa: {  	_ =	sdelay $0x1  }
0xab: {  	[hbm4b:s10+s15] =	stream.strided.scatter [tilespmem:s20], [sflag:$0x2], $0xE000, s16, s15, $0x38;
	[tilespmem:$0x1F780] =	vst v63  }
0xac: {  	s26 =	simm.s32 $0x1  }
.LBB2_21:
0xad: {  	_ =	sdelay $0x4  }
0xae: {  	[tilespmem:v8+s20+$0x0] =	vst.idx.msk vm0, v7  }
.LBB2_22:
0xaf: {  	s26 =	sadd.s32 $0x1, s26  }
0xb0: {  	p1 =	sne.s32 s26, $0x1B  }
.Ltmp11:
0xb1: {  	s0 =	sadd.s32 s11, s29;
	(pc) =	sbr.rel @!p1 .LBB2_23-.Ltmp11, $4  }
0xb2: {  	s0 =	sshll.u32 s0, $0x7  }
0xb3: {  	s0 =	sand.u32 $0x1FFFFF80, s0  }
0xb4: {  	s0 =	sadd.s32 s1, s0  }
0xb5: {  	[hbm4b:s0+s15] =	stream.strided.scatter [tilespmem:s20], [sflag:$0x2], $0xE000, s16, s15, $0x38;
	[tilespmem:$0x1F780] =	vst v63  }
.LBB2_14:
.Ltmp12:
0xb6: {  	(pc) =	sbr.rel @p0 .LBB2_18-.Ltmp12, $4  }
0xb7: {  	_ = 	snop  }
0xb8: {  	_ =	swait.ge [sflag:s22], $0xE000  }
0xb9: {  	s28 =	smul.u32 $0xFFFFFC80, s26;
	[sflag:s22] =	ssyncset.done $0x0  }
0xba: {  	s29 =	smul.u32 $0x380, s26;
	[sflag:s22] =	ssyncadd.s32 $0xFFFF2000  }
0xbb: {  	s30 =	simm.s32 $0x1800  }
0xbc: {  	s31 =	simm.s32 $0x2280;
	v7 =	vld [tilespmem:s30+$0x0]  }
0xbd: {  	v6 =	vld [tilespmem:s31+$0x0];
	_ =	sdelay $0x1  }
0xbe: {  	s0 =	sadd.s32 $0x380, s28  }
0xbf: {  	v5 =	vmov s0  }
0xc0: {  	v8 =	vadd.s32 v5, v7  }
0xc1: {  	v9 =	vand.u32 $0xFFFFFF80, v6;
	vm1 =	vlt.u32 v8, $0x1C0;
	v8 =	vshll.u32 v8, $0x7  }
0xc2: {  	v10 =	vand.u32 $0x7F, v6;
	v6 =	vmov s29;
	v8 =	vnsel vm1, $0x0, v8  }
0xc3: {  	v7 =	vsub.s32 v7, v6;
	v8 =	vadd.s32 v9, v8  }
0xc4: {  	vm0 =	vlt.u32 v7, $0x1C0;
	v11 =	vor.u32 v10, v8;
	v8 =	vshll.u32 v7, $0x7  }
0xc5: {  	v7 =	vnsel vm0, $0x0, v8  }
0xc6: {  	p1 =	sne.s32 s25, $0x1;
	s0 =	simm.s32 $0x2D00;
	v8 =	vadd.s32 v9, v7  }
.Ltmp13:
0xc7: {  	v7 =	vld [tilespmem:s0+$0x0];
	v8 =	vor.u32 v10, v8;
	(pc) =	sbr.rel @!p1 .LBB2_17-.Ltmp13, $2  }
0xc8: {  	_ =	sdelay $0x2  }
0xc9: {  	s2 =	sadd.s32 $0xFFFFFFFF, s25;
	[tilespmem:v11+s19+$0x0] =	vst.idx.msk vm1, v4  }
.LBB2_16:
0xca: {  	[tilespmem:v8+s19+$0x0] =	vst.idx.msk vm0, v7;
	s30 =	sadd.s32 $0x10, s30;
	s31 =	sadd.s32 $0x10, s31;
	s0 =	sadd.s32 $0x10, s0  }
0xcb: {  	p1 =	sne.s32 s2, $0x1;
	s2 =	sadd.s32 $0xFFFFFFFF, s2;
	v7 =	vld [tilespmem:s30+$0x0];
	_ =	sdelay $0x1  }
0xcc: {  	v8 =	vld [tilespmem:s31+$0x0];
	_ =	sdelay $0x2  }
0xcd: {  	v9 =	vadd.s32 v5, v7;
	v7 =	vsub.s32 v7, v6  }
0xce: {  	vm1 =	vlt.u32 v9, $0x1C0;
	v9 =	vshll.u32 v9, $0x7;
	v10 =	vshll.u32 v7, $0x7  }
0xcf: {  	vm0 =	vlt.u32 v7, $0x1C0;
	v11 =	vand.u32 $0xFFFFFF80, v8;
	v9 =	vnsel vm1, $0x0, v9  }
0xd0: {  	v8 =	vand.u32 $0x7F, v8;
	v7 =	vadd.s32 v11, v9;
	v9 =	vnsel vm0, $0x0, v10  }
0xd1: {  	v10 =	vor.u32 v8, v7;
	v9 =	vadd.s32 v11, v9  }
.Ltmp14:
0xd2: {  	v7 =	vld [tilespmem:s0+$0x0];
	v8 =	vor.u32 v8, v9;
	(pc) =	sbr.rel @p1 .LBB2_16-.Ltmp14, $2  }
0xd3: {  	_ =	sdelay $0x2  }
0xd4: {  	[tilespmem:v10+s19+$0x0] =	vst.idx.msk vm1, v4  }
.LBB2_17:
0xd5: {  	_ =	sdelay $0x4  }
0xd6: {  	[tilespmem:v8+s19+$0x0] =	vst.idx.msk vm0, v7  }
.LBB2_18:
0xd7: {  	_ = 	snop  }
0xd8: {  	s0 =	sadd.s32 s11, s29  }
0xd9: {  	s0 =	sshll.u32 s0, $0x7  }
0xda: {  	s0 =	sand.u32 $0x1FFFFF80, s0  }
.Ltmp15:
0xdb: {  	s0 =	sadd.s32 s1, s0;
	(pc) =	sbr.rel @p0 .LBB2_22-.Ltmp15, $4  }
0xdc: {  	[hbm4b:s0+s15] =	stream.strided.scatter [tilespmem:s19], [sflag:$0x1], $0xE000, s16, s15, $0x38;
	[tilespmem:$0x1F780] =	vst v63  }
0xdd: {  	_ =	swait.ge [sflag:s23], $0xE000  }
0xde: {  	[sflag:s23] =	ssyncset.done $0x0  }
0xdf: {  	s29 =	sadd.s32 $0x1C0, s29;
	[sflag:s23] =	ssyncadd.s32 $0xFFFF2000  }
0xe0: {  	s30 =	simm.s32 $0x1800  }
0xe1: {  	s31 =	simm.s32 $0x2280;
	v7 =	vld [tilespmem:s30+$0x0]  }
0xe2: {  	v6 =	vld [tilespmem:s31+$0x0];
	_ =	sdelay $0x1  }
0xe3: {  	s0 =	sadd.s32 $0x1C0, s28  }
0xe4: {  	v5 =	vmov s0  }
0xe5: {  	v8 =	vadd.s32 v5, v7  }
0xe6: {  	v9 =	vand.u32 $0xFFFFFF80, v6;
	vm1 =	vlt.u32 v8, $0x1C0;
	v8 =	vshll.u32 v8, $0x7  }
0xe7: {  	v10 =	vand.u32 $0x7F, v6;
	v6 =	vmov s29;
	v8 =	vnsel vm1, $0x0, v8  }
0xe8: {  	v7 =	vsub.s32 v7, v6;
	v8 =	vadd.s32 v9, v8  }
0xe9: {  	vm0 =	vlt.u32 v7, $0x1C0;
	v11 =	vor.u32 v10, v8;
	v8 =	vshll.u32 v7, $0x7  }
0xea: {  	v7 =	vnsel vm0, $0x0, v8  }
0xeb: {  	p1 =	sne.s32 s25, $0x1;
	s0 =	simm.s32 $0x2D00;
	v8 =	vadd.s32 v9, v7  }
.Ltmp16:
0xec: {  	v7 =	vld [tilespmem:s0+$0x0];
	v8 =	vor.u32 v10, v8;
	(pc) =	sbr.rel @!p1 .LBB2_21-.Ltmp16, $2  }
0xed: {  	_ =	sdelay $0x2  }
0xee: {  	s2 =	sadd.s32 $0xFFFFFFFF, s25;
	[tilespmem:v11+s20+$0x0] =	vst.idx.msk vm1, v4  }
.LBB2_20:
0xef: {  	[tilespmem:v8+s20+$0x0] =	vst.idx.msk vm0, v7;
	s30 =	sadd.s32 $0x10, s30;
	s31 =	sadd.s32 $0x10, s31;
	s0 =	sadd.s32 $0x10, s0  }
0xf0: {  	p1 =	sne.s32 s2, $0x1;
	s2 =	sadd.s32 $0xFFFFFFFF, s2;
	v7 =	vld [tilespmem:s30+$0x0];
	_ =	sdelay $0x1  }
0xf1: {  	v8 =	vld [tilespmem:s31+$0x0];
	_ =	sdelay $0x2  }
0xf2: {  	v9 =	vadd.s32 v5, v7;
	v7 =	vsub.s32 v7, v6  }
0xf3: {  	vm1 =	vlt.u32 v9, $0x1C0;
	v9 =	vshll.u32 v9, $0x7;
	v10 =	vshll.u32 v7, $0x7  }
0xf4: {  	vm0 =	vlt.u32 v7, $0x1C0;
	v11 =	vand.u32 $0xFFFFFF80, v8;
	v9 =	vnsel vm1, $0x0, v9  }
0xf5: {  	v8 =	vand.u32 $0x7F, v8;
	v7 =	vadd.s32 v11, v9;
	v9 =	vnsel vm0, $0x0, v10  }
0xf6: {  	v10 =	vor.u32 v8, v7;
	v9 =	vadd.s32 v11, v9  }
.Ltmp17:
0xf7: {  	v7 =	vld [tilespmem:s0+$0x0];
	v8 =	vor.u32 v8, v9;
	(pc) =	sbr.rel @p1 .LBB2_20-.Ltmp17, $2  }
0xf8: {  	_ =	sdelay $0x2  }
0xf9: {  	[tilespmem:v10+s20+$0x0] =	vst.idx.msk vm1, v4  }
.Ltmp18:
0xfa: {  	_ = 	snop;
	(pc) =	sbr.rel .LBB2_21-.Ltmp18, $1  }
0xfb: {  	_ =	sdelay $0x3  }
.LBB2_23:
.Ltmp19:
0xfc: {  	(pc) =	sbr.rel @p0 .LBB2_29-.Ltmp19, $4  }
0xfd: {  	_ = 	snop  }
0xfe: {  	_ =	swait.ge [sflag:s22], $0xE000  }
0xff: {  	[sflag:s22] =	ssyncset.done $0x0  }
0x100: {  	[sflag:s22] =	ssyncadd.s32 $0xFFFF2000  }
0x101: {  	s26 =	simm.s32 $0x1800  }
0x102: {  	s28 =	simm.s32 $0x2280;
	v5 =	vld [tilespmem:s26+$0x0]  }
0x103: {  	v6 =	vld [tilespmem:s28+$0x0];
	_ =	sdelay $0x4  }
0x104: {  	v7 =	vadd.s32 $0xFFFFA500, v5;
	v8 =	vshll.u32 v5, $0x7;
	v9 =	vand.u32 $0xFFFFFF80, v6  }
0x105: {  	v5 =	vadd.s32 $0xFFFFA180, v5;
	vm1 =	vlt.u32 v7, $0x1C0;
	v7 =	vadd.s32 $0xFFD28000, v8  }
0x106: {  	v8 =	vadd.s32 $0xFFD0C000, v8;
	vm0 =	vlt.u32 v5, $0x1C0;
	v7 =	vnsel vm1, $0x0, v7  }
0x107: {  	v6 =	vand.u32 $0x7F, v6;
	v5 =	vnsel vm0, $0x0, v8;
	v7 =	vadd.s32 v9, v7  }
0x108: {  	s29 =	simm.s32 $0x2D00;
	p0 =	sne.s32 s25, $0x1;
	v8 =	vadd.s32 v9, v5;
	v7 =	vor.u32 v6, v7  }
.Ltmp20:
0x109: {  	v5 =	vld [tilespmem:s29+$0x0];
	v6 =	vor.u32 v6, v8;
	(pc) =	sbr.rel @!p0 .LBB2_26-.Ltmp20, $3  }
0x10a: {  	_ =	sdelay $0x1  }
0x10b: {  	s30 =	sadd.s32 $0xFFFFFFFF, s25  }
0x10c: {  	s0 =	simm.s32 $0x1800;
	s2 =	simm.s32 $0x2280;
	s31 =	simm.s32 $0x2D00;
	[tilespmem:v7+s19+$0x0] =	vst.idx.msk vm1, v4  }
.LBB2_25:
0x10d: {  	[tilespmem:v6+s19+$0x0] =	vst.idx.msk vm0, v5;
	s0 =	sadd.s32 $0x10, s0;
	s2 =	sadd.s32 $0x10, s2;
	s31 =	sadd.s32 $0x10, s31  }
0x10e: {  	p0 =	sne.s32 s30, $0x1;
	s30 =	sadd.s32 $0xFFFFFFFF, s30;
	v5 =	vld [tilespmem:s0+$0x0];
	_ =	sdelay $0x1  }
0x10f: {  	v6 =	vld [tilespmem:s2+$0x0];
	_ =	sdelay $0x2  }
0x110: {  	v7 =	vadd.s32 $0xFFFFA500, v5;
	v8 =	vshll.u32 v5, $0x7;
	v5 =	vadd.s32 $0xFFFFA180, v5  }
0x111: {  	vm1 =	vlt.u32 v7, $0x1C0;
	v7 =	vadd.s32 $0xFFD28000, v8;
	v8 =	vadd.s32 $0xFFD0C000, v8  }
0x112: {  	vm0 =	vlt.u32 v5, $0x1C0;
	v9 =	vand.u32 $0xFFFFFF80, v6;
	v7 =	vnsel vm1, $0x0, v7  }
0x113: {  	v6 =	vand.u32 $0x7F, v6;
	v5 =	vadd.s32 v9, v7;
	v7 =	vnsel vm0, $0x0, v8  }
0x114: {  	v8 =	vor.u32 v6, v5;
	v7 =	vadd.s32 v9, v7  }
.Ltmp21:
0x115: {  	v5 =	vld [tilespmem:s31+$0x0];
	v6 =	vor.u32 v6, v7;
	(pc) =	sbr.rel @p0 .LBB2_25-.Ltmp21, $2  }
0x116: {  	_ =	sdelay $0x2  }
0x117: {  	[tilespmem:v8+s19+$0x0] =	vst.idx.msk vm1, v4  }
.LBB2_26:
0x118: {  	_ =	sdelay $0x4  }
0x119: {  	[tilespmem:v6+s19+$0x0] =	vst.idx.msk vm0, v5  }
0x11a: {  	[hbm4b:s12+s15] =	stream.strided.scatter [tilespmem:s19], [sflag:$0x1], $0xE000, s16, s15, $0x38;
	[tilespmem:$0x1F780] =	vst v63  }
0x11b: {  	_ =	swait.ge [sflag:s23], $0xE000  }
0x11c: {  	[sflag:s23] =	ssyncset.done $0x0  }
0x11d: {  	[sflag:s23] =	ssyncadd.s32 $0xFFFF2000  }
0x11e: {  	v5 =	vld [tilespmem:s26+$0x0]  }
0x11f: {  	v6 =	vld [tilespmem:s28+$0x0];
	_ =	sdelay $0x4  }
0x120: {  	v7 =	vadd.s32 $0xFFFFA340, v5;
	v8 =	vshll.u32 v5, $0x7;
	v9 =	vand.u32 $0xFFFFFF80, v6  }
0x121: {  	v5 =	vadd.s32 $0xFFFF9FC0, v5;
	vm1 =	vlt.u32 v7, $0x1C0;
	v7 =	vadd.s32 $0xFFD1A000, v8  }
0x122: {  	v8 =	vadd.s32 $0xFFCFE000, v8;
	vm0 =	vlt.u32 v5, $0x168;
	v7 =	vnsel vm1, $0x0, v7  }
0x123: {  	v6 =	vand.u32 $0x7F, v6;
	v5 =	vnsel vm0, $0x0, v8;
	v7 =	vadd.s32 v9, v7  }
0x124: {  	p0 =	seq.s32 s25, $0x1;
	v8 =	vadd.s32 v9, v5;
	v7 =	vor.u32 v6, v7  }
.Ltmp22:
0x125: {  	v5 =	vld [tilespmem:s29+$0x0];
	v6 =	vor.u32 v6, v8;
	(pc) =	sbr.rel @p0 .LBB2_28-.Ltmp22, $2  }
0x126: {  	_ =	sdelay $0x2  }
0x127: {  	s0 =	sadd.s32 $0xFFFFFFFF, s25;
	[tilespmem:v7+s20+$0x0] =	vst.idx.msk vm1, v4  }
.LBB2_27:
0x128: {  	[tilespmem:v6+s20+$0x0] =	vst.idx.msk vm0, v5;
	s26 =	sadd.s32 $0x10, s26;
	s28 =	sadd.s32 $0x10, s28;
	s29 =	sadd.s32 $0x10, s29  }
0x129: {  	p0 =	seq.s32 s0, $0x1;
	s0 =	sadd.s32 $0xFFFFFFFF, s0;
	v5 =	vld [tilespmem:s26+$0x0];
	_ =	sdelay $0x1  }
0x12a: {  	v6 =	vld [tilespmem:s28+$0x0];
	_ =	sdelay $0x2  }
0x12b: {  	v7 =	vadd.s32 $0xFFFFA340, v5;
	v8 =	vshll.u32 v5, $0x7;
	v5 =	vadd.s32 $0xFFFF9FC0, v5  }
0x12c: {  	vm1 =	vlt.u32 v7, $0x1C0;
	v7 =	vadd.s32 $0xFFD1A000, v8;
	v8 =	vadd.s32 $0xFFCFE000, v8  }
0x12d: {  	vm0 =	vlt.u32 v5, $0x168;
	v9 =	vand.u32 $0xFFFFFF80, v6;
	v7 =	vnsel vm1, $0x0, v7  }
0x12e: {  	v6 =	vand.u32 $0x7F, v6;
	v5 =	vadd.s32 v9, v7;
	v7 =	vnsel vm0, $0x0, v8  }
0x12f: {  	v8 =	vor.u32 v6, v5;
	v7 =	vadd.s32 v9, v7  }
.Ltmp23:
0x130: {  	v5 =	vld [tilespmem:s29+$0x0];
	v6 =	vor.u32 v6, v7;
	(pc) =	sbr.rel @!p0 .LBB2_27-.Ltmp23, $2  }
0x131: {  	_ =	sdelay $0x2  }
0x132: {  	[tilespmem:v8+s20+$0x0] =	vst.idx.msk vm1, v4  }
.LBB2_28:
0x133: {  	_ = 	snop  }
.Ltmp24:
0x134: {  	_ = 	snop;
	(pc) =	sbr.rel .LBB2_30-.Ltmp24, $2  }
0x135: {  	_ =	sdelay $0x2  }
0x136: {  	[tilespmem:v6+s20+$0x0] =	vst.idx.msk vm0, v5  }
.LBB2_5:
.Ltmp25:
0x137: {  	(pc) =	sbr.rel .LBB2_9-.Ltmp25, $2  }
0x138: {  	_ =	sdelay $0x2  }
0x139: {  	s0 =	simm.s32 $0x2280;
	s31 =	simm.s32 $0x2D00  }
.LBB2_7:
.Ltmp26:
0x13a: {  	(pc) =	sbr.rel .LBB2_9-.Ltmp26, $2  }
0x13b: {  	_ =	sdelay $0x2  }
0x13c: {  	s31 =	simm.s32 $0x2D00  }
.LBB2_31:
0x13d: {  	_ =	sfence.sel $0x180000  }
0x13e: {  	[bflag:$0x0] =	sbarrier.arrive $0xFFFF  }
0x13f: {  	_ =	strace $0x90000047  }
0x140: {  	s0 =	stileid.u32;
	[bflag:$0x2] =	sbarrier.arrive $0xFFFF  }
0x141: {  	p0 =	sne.s32 s0, $0x0;
	s0 =	rddreg [dreg:$0x2]  }
0x142: {  	s0 =	sadd.s32 @!p0 $0x100000, s0  }
0x143: {  	[sflag:s0] =	ssyncadd.tile.s32 @!p0 $0x1;
	_ =	shalt  }
.Lfunc_end2:
_tile_overlayer_lowered:
.L_overlay_start_2:
0x144: {  	(tag) =	ssettag $0x2  }
0x145: {  	s0 =	rddreg [dreg:$0x0];
	s2 =	stileid.u32  }
0x146: {  	s1 =	rddreg [dreg:$0x1];
	p0 =	sne.s32 s2, $0x0  }
0x147: {  	s3 =	rddreg [dreg:$0x2];
	[bflag:$0x3] =	sbarrier.arrive $0xFFFF;
	s2 =	simm.s32 @!p0 $0x1C04  }
0x148: {  	[timem:s3], [sflag:s2] =	dma.local @!p0 [hbm:s0], s1  }
0x149: {  	s0 =	simm.s32 @!p0 $0x4  }
0x14a: {  	_ =	swait.ge @!p0 [sflag:s0], s1  }
0x14b: {  	s1 =	ssub.s32 @!p0 $0x0, s1;
	[sflag:s0] =	ssyncset.done @!p0 $0x0  }
0x14c: {  	[sflag:s0] =	ssyncadd.s32 @!p0 s1  }
0x14d: {  	[bflag:$0x3] =	sbarrier.arrive $0xFFFF  }
0x14e: {  	_ =	shalt  }

</sc_bundles>
